<compile_context>
chip_gen: v7x
topology: tpu7x:2x2x1
jax: 0.10.2.dev20260603
libtpu: 0.0.44.dev20260713+nightly
codegen_flags: <defaults>
</compile_context>

<pallas_src>
import functools
import math

import jax
import jax.numpy as jnp
from jax import lax
from jax.experimental import pallas as pl
from jax.experimental.pallas import tpu as pltpu
from jax.experimental.pallas import tpu_sc as plsc

_N_CORES = 2
_N_SUBCORES = 16
_N_WORKERS = _N_CORES * _N_SUBCORES


def _make_lookup(N, V, D, chunk):
    scale = math.sqrt(float(D))
    per_w = N // _N_WORKERS
    n_chunks = per_w // chunk
    mesh = plsc.VectorSubcoreMesh(core_axis_name="c", subcore_axis_name="s")

    @functools.partial(
        pl.kernel,
        mesh=mesh,
        compiler_params=pltpu.CompilerParams(use_tc_tiling_on_sc=False),
        out_type=jax.ShapeDtypeStruct((N, D), jnp.float32),
        scratch_types=[
            pltpu.VMEM((chunk,), jnp.int32),
            pltpu.VMEM((chunk,), jnp.int32),
            pltpu.VMEM((chunk, D), jnp.float32),
            pltpu.VMEM((chunk, D), jnp.float32),
            pltpu.VMEM((chunk, D), jnp.float32),
            pltpu.VMEM((chunk, D), jnp.float32),
            pltpu.SemaphoreType.DMA,
            pltpu.SemaphoreType.DMA,
            pltpu.SemaphoreType.DMA,
        ],
    )
    def lookup(
        idx_hbm, tab_hbm, out_hbm,
        ix0, ix1, rw0, rw1, so0, so1, sem_idx, sem_g, sem_out,
    ):
        wid = lax.axis_index("s") * _N_CORES + lax.axis_index("c")
        base = wid * per_w

        def idx_desc(ci, ixb):
            off = base + jnp.minimum(ci, n_chunks - 1) * chunk
            return (idx_hbm.at[pl.ds(off, chunk)], ixb)

        def out_desc(ci, sob):
            off = base + jnp.minimum(ci, n_chunks - 1) * chunk
            return (sob, out_hbm.at[pl.ds(off, chunk)])

        def select_scale(rwb, sob):
            @plsc.parallel_loop(0, chunk, 1, unroll=8)
            def row_body(r):
                for d0 in range(0, D, 16):
                    v16 = rwb[r, pl.ds(d0, 16)]
                    sob[r, pl.ds(d0, 16)] = v16 * scale

        def half(ci, ixb, rwb, sob, g, do_wait):
            if do_wait:
                s, d = out_desc(ci, sob)
                pltpu.make_async_copy(s, d, sem_out).wait()
            g.wait()
            select_scale(rwb, sob)
            s, d = out_desc(ci, sob)
            pltpu.async_copy(s, d, sem_out)
            s, d = idx_desc(ci + 2, ixb)
            pltpu.async_copy(s, d, sem_idx)

        def pair(k, do_wait):
            ci = 2 * k
            s, d = idx_desc(ci, ix0)
            pltpu.make_async_copy(s, d, sem_idx).wait()
            g0 = pltpu.async_copy(tab_hbm.at[ix0], rw0, sem_g)
            s, d = idx_desc(ci + 1, ix1)
            pltpu.make_async_copy(s, d, sem_idx).wait()
            g1 = pltpu.async_copy(tab_hbm.at[ix1], rw1, sem_g)
            half(ci, ix0, rw0, so0, g0, do_wait)
            half(ci + 1, ix1, rw1, so1, g1, do_wait)

        s, d = idx_desc(0, ix0)
        pltpu.async_copy(s, d, sem_idx)
        s, d = idx_desc(1, ix1)
        pltpu.async_copy(s, d, sem_idx)
        pair(0, False)

        def pair_body(k, carry):
            pair(k, True)
            return carry

        lax.fori_loop(1, n_chunks // 2, pair_body, 0)
        s, d = idx_desc(n_chunks, ix0)
        pltpu.make_async_copy(s, d, sem_idx).wait()
        s, d = idx_desc(n_chunks + 1, ix1)
        pltpu.make_async_copy(s, d, sem_idx).wait()
        for ci, sob in ((0, so0), (1, so1)):
            s, d = out_desc(ci, sob)
            pltpu.make_async_copy(s, d, sem_out).wait()

    return lookup


def kernel(x, table):
    B, H = x.shape
    V, D = table.shape
    N = B * H
    idx = x.reshape(N).astype(jnp.int32)
    out = _make_lookup(N, V, D, chunk=400)(idx, table)
    return out.reshape(B, H, D)

# --- scband reference (transcript-rebuilt; emitter-appended) ---
"""Pipeline reference for scband-char-embedding-50929722196154 (READ-ONLY COPY).

The authoritative reference and input builder live on the scoring server;
editing this copy changes nothing except your own understanding.
"""

import jax, jax.numpy as jnp
import numpy as np

VOCAB = 1000000
D_MODEL = 64
BATCH = 4096
HIST = 200

def setup_inputs(seed: int = 0) -> dict:
    key = jax.random.key(seed)
    k1, k2 = jax.random.split(key)
    x = jax.random.randint(k1, (BATCH, HIST), 0, VOCAB, dtype=jnp.int64)
    # Learned embedding table sized per init_kwargs (vocab_size, d_model)
    table = jax.random.normal(k2, (VOCAB, D_MODEL), dtype=jnp.float32) * 0.02
    return {"x": x, "table": table}

def reference(x, table):
    # CharEmbedding.call: sqrt(d_model) * Embedding(x)
    d_model = table.shape[1]
    emb = jnp.take(table, x, axis=0)
    return jnp.sqrt(jnp.asarray(d_model, dtype=jnp.float32)) * emb

if __name__ == "__main__":
    import jax
    _d = setup_inputs()
    print(jax.jit(kernel)(*tuple(_d.values())))

</pallas_src>

<mosaic_0001>
#map = affine_map<(d0, d1) -> (0)>
#map1 = affine_map<(d0, d1) -> (0, 0)>
module attributes {stable_mosaic.version = 14 : i64} {
  func.func @lookup(%arg0: i32, %arg1: i32, %arg2: memref<819200xi32, #tpu.memory_space<hbm>>, %arg3: memref<1000000x64xf32, #tpu.memory_space<hbm>>, %arg4: memref<819200x64xf32, #tpu.memory_space<hbm>>, %arg5: memref<400xi32, #tpu.memory_space<vmem>>, %arg6: memref<400xi32, #tpu.memory_space<vmem>>, %arg7: memref<400x64xf32, #tpu.memory_space<vmem>>, %arg8: memref<400x64xf32, #tpu.memory_space<vmem>>, %arg9: memref<400x64xf32, #tpu.memory_space<vmem>>, %arg10: memref<400x64xf32, #tpu.memory_space<vmem>>, %arg11: memref<!tpu.dma_semaphore, #tpu.memory_space<semaphore_mem>>, %arg12: memref<!tpu.dma_semaphore, #tpu.memory_space<semaphore_mem>>, %arg13: memref<!tpu.dma_semaphore, #tpu.memory_space<semaphore_mem>>) attributes {dimension_semantics = [#tpu.dimension_semantics<core_parallel>, #tpu.dimension_semantics<subcore_parallel>], iteration_bounds = array<i64: 2, 16>, scalar_prefetch = 0 : i64, scratch_operands = 9 : i64, tpu.core_type = #tpu.core_type<sc_vector_subcore>, window_params = [{transform_indices = #map}, {transform_indices = #map1}, {transform_indices = #map1}]} {
    %mul3A = arith.constant 2 : i32
    %mul3A_0 = arith.muli %arg1, %mul3A : i32
    %add3A = arith.addi %mul3A_0, %arg0 : i32
    %mul3A_1 = arith.constant 25600 : i32
    %mul3A_2 = arith.muli %add3A, %mul3A_1 : i32
    %min3A = arith.constant 0 : i32
    %min3A_3 = arith.constant 63 : i32
    %min3A_4 = arith.minsi %min3A, %min3A_3 : i32
    %mul3A_5 = arith.constant 400 : i32
    %mul3A_6 = arith.muli %min3A_4, %mul3A_5 : i32
    %add3A_7 = arith.addi %mul3A_2, %mul3A_6 : i32
    %dma_start3A = tpu.memref_slice %arg2[%add3A_7] : memref<819200xi32, #tpu.memory_space<hbm>> -> memref<400xi32, #tpu.memory_space<hbm>>
    %dma_start3A_8 = tpu.memref_slice %arg2[%add3A_7] : memref<819200xi32, #tpu.memory_space<hbm>> -> memref<400xi32, #tpu.memory_space<hbm>>
    tpu.enqueue_dma source(%dma_start3A_8 : memref<400xi32, #tpu.memory_space<hbm>>) target(%arg5 : memref<400xi32, #tpu.memory_space<vmem>>) target_semaphore(%arg11 : memref<!tpu.dma_semaphore, #tpu.memory_space<semaphore_mem>>)
    %min3A_9 = arith.constant 1 : i32
    %min3A_10 = arith.constant 63 : i32
    %min3A_11 = arith.minsi %min3A_9, %min3A_10 : i32
    %mul3A_12 = arith.constant 400 : i32
    %mul3A_13 = arith.muli %min3A_11, %mul3A_12 : i32
    %add3A_14 = arith.addi %mul3A_2, %mul3A_13 : i32
    %dma_start3A_15 = tpu.memref_slice %arg2[%add3A_14] : memref<819200xi32, #tpu.memory_space<hbm>> -> memref<400xi32, #tpu.memory_space<hbm>>
    %dma_start3A_16 = tpu.memref_slice %arg2[%add3A_14] : memref<819200xi32, #tpu.memory_space<hbm>> -> memref<400xi32, #tpu.memory_space<hbm>>
    tpu.enqueue_dma source(%dma_start3A_16 : memref<400xi32, #tpu.memory_space<hbm>>) target(%arg6 : memref<400xi32, #tpu.memory_space<vmem>>) target_semaphore(%arg11 : memref<!tpu.dma_semaphore, #tpu.memory_space<semaphore_mem>>)
    %min3A_17 = arith.constant 0 : i32
    %min3A_18 = arith.constant 63 : i32
    %min3A_19 = arith.minsi %min3A_17, %min3A_18 : i32
    %mul3A_20 = arith.constant 400 : i32
    %mul3A_21 = arith.muli %min3A_19, %mul3A_20 : i32
    %add3A_22 = arith.addi %mul3A_2, %mul3A_21 : i32
    %dma_wait3A = tpu.memref_slice %arg2[%add3A_22] : memref<819200xi32, #tpu.memory_space<hbm>> -> memref<400xi32, #tpu.memory_space<hbm>>
    %dma_wait3A_23 = tpu.memref_slice %arg2[%add3A_22] : memref<819200xi32, #tpu.memory_space<hbm>> -> memref<400xi32, #tpu.memory_space<hbm>>
    tpu.wait_dma2 semaphore(%arg11 : memref<!tpu.dma_semaphore, #tpu.memory_space<semaphore_mem>>) src(%dma_wait3A_23 : memref<400xi32, #tpu.memory_space<hbm>>) dst(%arg5 : memref<400xi32, #tpu.memory_space<vmem>>)
    %dma_start3A_24 = arith.constant 0 : i32
    %dma_start3A_25 = arith.constant 0 : i32
    %dma_start3A_26 = tpu.memref_slice %arg3[%dma_start3A_24, %dma_start3A_25] : memref<1000000x64xf32, #tpu.memory_space<hbm>> -> memref<1000000x64xf32, #tpu.memory_space<hbm>>
    tpu.enqueue_indirect_dma source(%dma_start3A_26 : memref<1000000x64xf32, #tpu.memory_space<hbm>>) target(%arg7 : memref<400x64xf32, #tpu.memory_space<vmem>>) offsets(%arg5 : memref<400xi32, #tpu.memory_space<vmem>>) semaphore(%arg12 : memref<!tpu.dma_semaphore, #tpu.memory_space<semaphore_mem>>)
    %min3A_27 = arith.constant 1 : i32
    %min3A_28 = arith.constant 63 : i32
    %min3A_29 = arith.minsi %min3A_27, %min3A_28 : i32
    %mul3A_30 = arith.constant 400 : i32
    %mul3A_31 = arith.muli %min3A_29, %mul3A_30 : i32
    %add3A_32 = arith.addi %mul3A_2, %mul3A_31 : i32
    %dma_wait3A_33 = tpu.memref_slice %arg2[%add3A_32] : memref<819200xi32, #tpu.memory_space<hbm>> -> memref<400xi32, #tpu.memory_space<hbm>>
    %dma_wait3A_34 = tpu.memref_slice %arg2[%add3A_32] : memref<819200xi32, #tpu.memory_space<hbm>> -> memref<400xi32, #tpu.memory_space<hbm>>
    tpu.wait_dma2 semaphore(%arg11 : memref<!tpu.dma_semaphore, #tpu.memory_space<semaphore_mem>>) src(%dma_wait3A_34 : memref<400xi32, #tpu.memory_space<hbm>>) dst(%arg6 : memref<400xi32, #tpu.memory_space<vmem>>)
    %dma_start3A_35 = arith.constant 0 : i32
    %dma_start3A_36 = arith.constant 0 : i32
    %dma_start3A_37 = tpu.memref_slice %arg3[%dma_start3A_35, %dma_start3A_36] : memref<1000000x64xf32, #tpu.memory_space<hbm>> -> memref<1000000x64xf32, #tpu.memory_space<hbm>>
    tpu.enqueue_indirect_dma source(%dma_start3A_37 : memref<1000000x64xf32, #tpu.memory_space<hbm>>) target(%arg8 : memref<400x64xf32, #tpu.memory_space<vmem>>) offsets(%arg6 : memref<400xi32, #tpu.memory_space<vmem>>) semaphore(%arg12 : memref<!tpu.dma_semaphore, #tpu.memory_space<semaphore_mem>>)
    %dma_wait3A_38 = arith.constant 0 : i32
    %dma_wait3A_39 = arith.constant 0 : i32
    %dma_wait3A_40 = tpu.memref_slice %arg3[%dma_wait3A_38, %dma_wait3A_39] : memref<1000000x64xf32, #tpu.memory_space<hbm>> -> memref<1000000x64xf32, #tpu.memory_space<hbm>>
    tpu.wait_indirect_dma semaphore(%arg12 : memref<!tpu.dma_semaphore, #tpu.memory_space<semaphore_mem>>) src(%dma_wait3A_40 : memref<1000000x64xf32, #tpu.memory_space<hbm>>) dst(%arg7 : memref<400x64xf32, #tpu.memory_space<vmem>>)
    %parallel_loop3A = arith.constant 0 : i32
    %parallel_loop3A_41 = arith.constant 400 : i32
    %parallel_loop3A_42 = arith.constant 1 : i32
    scf.for %parallel_loop3A_126 = %parallel_loop3A to %parallel_loop3A_41 step %parallel_loop3A_42  : i32 {
      %parallel_loop3A_127 = arith.index_cast %parallel_loop3A_126 : i32 to index
      %parallel_loop3A_128 = arith.constant 0 : index
      %parallel_loop3A_129 = tpu.vector_load %arg7[%parallel_loop3A_127, %parallel_loop3A_128] {strides = array<i32>} : memref<400x64xf32, #tpu.memory_space<vmem>>, vector<1x16xf32>,
      %parallel_loop3A_130 = vector.shape_cast %parallel_loop3A_129 : vector<1x16xf32> to vector<16xf32>
      %parallel_loop3A_131 = arith.constant 8.000000e+00 : f32
      %parallel_loop3A_132 = vector.broadcast %parallel_loop3A_131 : f32 to vector<16xf32>
      %parallel_loop3A_133 = arith.mulf %parallel_loop3A_130, %parallel_loop3A_132 : vector<16xf32>
      %parallel_loop3A_134 = arith.index_cast %parallel_loop3A_126 : i32 to index
      %parallel_loop3A_135 = arith.constant 0 : index
      %parallel_loop3A_136 = tpu.vector_load %arg9[%parallel_loop3A_134, %parallel_loop3A_135] {strides = array<i32>} : memref<400x64xf32, #tpu.memory_space<vmem>>, vector<1x16xf32>,
      %parallel_loop3A_137 = vector.shape_cast %parallel_loop3A_136 : vector<1x16xf32> to vector<16xf32>
      %parallel_loop3A_138 = vector.shape_cast %parallel_loop3A_133 : vector<16xf32> to vector<1x16xf32>
      tpu.vector_store %arg9[%parallel_loop3A_134, %parallel_loop3A_135], %parallel_loop3A_138 {strides = array<i32>} : memref<400x64xf32, #tpu.memory_space<vmem>>, vector<1x16xf32>,
      %parallel_loop3A_139 = arith.index_cast %parallel_loop3A_126 : i32 to index
      %parallel_loop3A_140 = arith.constant 16 : index
      %parallel_loop3A_141 = tpu.vector_load %arg7[%parallel_loop3A_139, %parallel_loop3A_140] {strides = array<i32>} : memref<400x64xf32, #tpu.memory_space<vmem>>, vector<1x16xf32>,
      %parallel_loop3A_142 = vector.shape_cast %parallel_loop3A_141 : vector<1x16xf32> to vector<16xf32>
      %parallel_loop3A_143 = arith.constant 8.000000e+00 : f32
      %parallel_loop3A_144 = vector.broadcast %parallel_loop3A_143 : f32 to vector<16xf32>
      %parallel_loop3A_145 = arith.mulf %parallel_loop3A_142, %parallel_loop3A_144 : vector<16xf32>
      %parallel_loop3A_146 = arith.index_cast %parallel_loop3A_126 : i32 to index
      %parallel_loop3A_147 = arith.constant 16 : index
      %parallel_loop3A_148 = tpu.vector_load %arg9[%parallel_loop3A_146, %parallel_loop3A_147] {strides = array<i32>} : memref<400x64xf32, #tpu.memory_space<vmem>>, vector<1x16xf32>,
      %parallel_loop3A_149 = vector.shape_cast %parallel_loop3A_148 : vector<1x16xf32> to vector<16xf32>
      %parallel_loop3A_150 = vector.shape_cast %parallel_loop3A_145 : vector<16xf32> to vector<1x16xf32>
      tpu.vector_store %arg9[%parallel_loop3A_146, %parallel_loop3A_147], %parallel_loop3A_150 {strides = array<i32>} : memref<400x64xf32, #tpu.memory_space<vmem>>, vector<1x16xf32>,
      %parallel_loop3A_151 = arith.index_cast %parallel_loop3A_126 : i32 to index
      %parallel_loop3A_152 = arith.constant 32 : index
      %parallel_loop3A_153 = tpu.vector_load %arg7[%parallel_loop3A_151, %parallel_loop3A_152] {strides = array<i32>} : memref<400x64xf32, #tpu.memory_space<vmem>>, vector<1x16xf32>,
      %parallel_loop3A_154 = vector.shape_cast %parallel_loop3A_153 : vector<1x16xf32> to vector<16xf32>
      %parallel_loop3A_155 = arith.constant 8.000000e+00 : f32
      %parallel_loop3A_156 = vector.broadcast %parallel_loop3A_155 : f32 to vector<16xf32>
      %parallel_loop3A_157 = arith.mulf %parallel_loop3A_154, %parallel_loop3A_156 : vector<16xf32>
      %parallel_loop3A_158 = arith.index_cast %parallel_loop3A_126 : i32 to index
      %parallel_loop3A_159 = arith.constant 32 : index
      %parallel_loop3A_160 = tpu.vector_load %arg9[%parallel_loop3A_158, %parallel_loop3A_159] {strides = array<i32>} : memref<400x64xf32, #tpu.memory_space<vmem>>, vector<1x16xf32>,
      %parallel_loop3A_161 = vector.shape_cast %parallel_loop3A_160 : vector<1x16xf32> to vector<16xf32>
      %parallel_loop3A_162 = vector.shape_cast %parallel_loop3A_157 : vector<16xf32> to vector<1x16xf32>
      tpu.vector_store %arg9[%parallel_loop3A_158, %parallel_loop3A_159], %parallel_loop3A_162 {strides = array<i32>} : memref<400x64xf32, #tpu.memory_space<vmem>>, vector<1x16xf32>,
      %parallel_loop3A_163 = arith.index_cast %parallel_loop3A_126 : i32 to index
      %parallel_loop3A_164 = arith.constant 48 : index
      %parallel_loop3A_165 = tpu.vector_load %arg7[%parallel_loop3A_163, %parallel_loop3A_164] {strides = array<i32>} : memref<400x64xf32, #tpu.memory_space<vmem>>, vector<1x16xf32>,
      %parallel_loop3A_166 = vector.shape_cast %parallel_loop3A_165 : vector<1x16xf32> to vector<16xf32>
      %parallel_loop3A_167 = arith.constant 8.000000e+00 : f32
      %parallel_loop3A_168 = vector.broadcast %parallel_loop3A_167 : f32 to vector<16xf32>
      %parallel_loop3A_169 = arith.mulf %parallel_loop3A_166, %parallel_loop3A_168 : vector<16xf32>
      %parallel_loop3A_170 = arith.index_cast %parallel_loop3A_126 : i32 to index
      %parallel_loop3A_171 = arith.constant 48 : index
      %parallel_loop3A_172 = tpu.vector_load %arg9[%parallel_loop3A_170, %parallel_loop3A_171] {strides = array<i32>} : memref<400x64xf32, #tpu.memory_space<vmem>>, vector<1x16xf32>,
      %parallel_loop3A_173 = vector.shape_cast %parallel_loop3A_172 : vector<1x16xf32> to vector<16xf32>
      %parallel_loop3A_174 = vector.shape_cast %parallel_loop3A_169 : vector<16xf32> to vector<1x16xf32>
      tpu.vector_store %arg9[%parallel_loop3A_170, %parallel_loop3A_171], %parallel_loop3A_174 {strides = array<i32>} : memref<400x64xf32, #tpu.memory_space<vmem>>, vector<1x16xf32>,
    } {sc.loop_unroll_factor = 8 : i64, sc.parallel_access}
    %min3A_43 = arith.constant 0 : i32
    %min3A_44 = arith.constant 63 : i32
    %min3A_45 = arith.minsi %min3A_43, %min3A_44 : i32
    %mul3A_46 = arith.constant 400 : i32
    %mul3A_47 = arith.muli %min3A_45, %mul3A_46 : i32
    %add3A_48 = arith.addi %mul3A_2, %mul3A_47 : i32
    %dma_start3A_49 = arith.constant 0 : i32
    %dma_start3A_50 = tpu.memref_slice %arg4[%add3A_48, %dma_start3A_49] : memref<819200x64xf32, #tpu.memory_space<hbm>> -> memref<400x64xf32, #tpu.memory_space<hbm>>
    %dma_start3A_51 = arith.constant 0 : i32
    %dma_start3A_52 = tpu.memref_slice %arg4[%add3A_48, %dma_start3A_51] : memref<819200x64xf32, #tpu.memory_space<hbm>> -> memref<400x64xf32, #tpu.memory_space<hbm>>
    tpu.enqueue_dma source(%arg9 : memref<400x64xf32, #tpu.memory_space<vmem>>) target(%dma_start3A_52 : memref<400x64xf32, #tpu.memory_space<hbm>>) target_semaphore(%arg13 : memref<!tpu.dma_semaphore, #tpu.memory_space<semaphore_mem>>)
    %min3A_53 = arith.constant 2 : i32
    %min3A_54 = arith.constant 63 : i32
    %min3A_55 = arith.minsi %min3A_53, %min3A_54 : i32
    %mul3A_56 = arith.constant 400 : i32
    %mul3A_57 = arith.muli %min3A_55, %mul3A_56 : i32
    %add3A_58 = arith.addi %mul3A_2, %mul3A_57 : i32
    %dma_start3A_59 = tpu.memref_slice %arg2[%add3A_58] : memref<819200xi32, #tpu.memory_space<hbm>> -> memref<400xi32, #tpu.memory_space<hbm>>
    %dma_start3A_60 = tpu.memref_slice %arg2[%add3A_58] : memref<819200xi32, #tpu.memory_space<hbm>> -> memref<400xi32, #tpu.memory_space<hbm>>
    tpu.enqueue_dma source(%dma_start3A_60 : memref<400xi32, #tpu.memory_space<hbm>>) target(%arg5 : memref<400xi32, #tpu.memory_space<vmem>>) target_semaphore(%arg11 : memref<!tpu.dma_semaphore, #tpu.memory_space<semaphore_mem>>)
    %dma_wait3A_61 = arith.constant 0 : i32
    %dma_wait3A_62 = arith.constant 0 : i32
    %dma_wait3A_63 = tpu.memref_slice %arg3[%dma_wait3A_61, %dma_wait3A_62] : memref<1000000x64xf32, #tpu.memory_space<hbm>> -> memref<1000000x64xf32, #tpu.memory_space<hbm>>
    tpu.wait_indirect_dma semaphore(%arg12 : memref<!tpu.dma_semaphore, #tpu.memory_space<semaphore_mem>>) src(%dma_wait3A_63 : memref<1000000x64xf32, #tpu.memory_space<hbm>>) dst(%arg8 : memref<400x64xf32, #tpu.memory_space<vmem>>)
    %parallel_loop3A_64 = arith.constant 0 : i32
    %parallel_loop3A_65 = arith.constant 400 : i32
    %parallel_loop3A_66 = arith.constant 1 : i32
    scf.for %parallel_loop3A_126 = %parallel_loop3A_64 to %parallel_loop3A_65 step %parallel_loop3A_66  : i32 {
      %parallel_loop3A_127 = arith.index_cast %parallel_loop3A_126 : i32 to index
      %parallel_loop3A_128 = arith.constant 0 : index
      %parallel_loop3A_129 = tpu.vector_load %arg8[%parallel_loop3A_127, %parallel_loop3A_128] {strides = array<i32>} : memref<400x64xf32, #tpu.memory_space<vmem>>, vector<1x16xf32>,
      %parallel_loop3A_130 = vector.shape_cast %parallel_loop3A_129 : vector<1x16xf32> to vector<16xf32>
      %parallel_loop3A_131 = arith.constant 8.000000e+00 : f32
      %parallel_loop3A_132 = vector.broadcast %parallel_loop3A_131 : f32 to vector<16xf32>
      %parallel_loop3A_133 = arith.mulf %parallel_loop3A_130, %parallel_loop3A_132 : vector<16xf32>
      %parallel_loop3A_134 = arith.index_cast %parallel_loop3A_126 : i32 to index
      %parallel_loop3A_135 = arith.constant 0 : index
      %parallel_loop3A_136 = tpu.vector_load %arg10[%parallel_loop3A_134, %parallel_loop3A_135] {strides = array<i32>} : memref<400x64xf32, #tpu.memory_space<vmem>>, vector<1x16xf32>,
      %parallel_loop3A_137 = vector.shape_cast %parallel_loop3A_136 : vector<1x16xf32> to vector<16xf32>
      %parallel_loop3A_138 = vector.shape_cast %parallel_loop3A_133 : vector<16xf32> to vector<1x16xf32>
      tpu.vector_store %arg10[%parallel_loop3A_134, %parallel_loop3A_135], %parallel_loop3A_138 {strides = array<i32>} : memref<400x64xf32, #tpu.memory_space<vmem>>, vector<1x16xf32>,
      %parallel_loop3A_139 = arith.index_cast %parallel_loop3A_126 : i32 to index
      %parallel_loop3A_140 = arith.constant 16 : index
      %parallel_loop3A_141 = tpu.vector_load %arg8[%parallel_loop3A_139, %parallel_loop3A_140] {strides = array<i32>} : memref<400x64xf32, #tpu.memory_space<vmem>>, vector<1x16xf32>,
      %parallel_loop3A_142 = vector.shape_cast %parallel_loop3A_141 : vector<1x16xf32> to vector<16xf32>
      %parallel_loop3A_143 = arith.constant 8.000000e+00 : f32
      %parallel_loop3A_144 = vector.broadcast %parallel_loop3A_143 : f32 to vector<16xf32>
      %parallel_loop3A_145 = arith.mulf %parallel_loop3A_142, %parallel_loop3A_144 : vector<16xf32>
      %parallel_loop3A_146 = arith.index_cast %parallel_loop3A_126 : i32 to index
      %parallel_loop3A_147 = arith.constant 16 : index
      %parallel_loop3A_148 = tpu.vector_load %arg10[%parallel_loop3A_146, %parallel_loop3A_147] {strides = array<i32>} : memref<400x64xf32, #tpu.memory_space<vmem>>, vector<1x16xf32>,
      %parallel_loop3A_149 = vector.shape_cast %parallel_loop3A_148 : vector<1x16xf32> to vector<16xf32>
      %parallel_loop3A_150 = vector.shape_cast %parallel_loop3A_145 : vector<16xf32> to vector<1x16xf32>
      tpu.vector_store %arg10[%parallel_loop3A_146, %parallel_loop3A_147], %parallel_loop3A_150 {strides = array<i32>} : memref<400x64xf32, #tpu.memory_space<vmem>>, vector<1x16xf32>,
      %parallel_loop3A_151 = arith.index_cast %parallel_loop3A_126 : i32 to index
      %parallel_loop3A_152 = arith.constant 32 : index
      %parallel_loop3A_153 = tpu.vector_load %arg8[%parallel_loop3A_151, %parallel_loop3A_152] {strides = array<i32>} : memref<400x64xf32, #tpu.memory_space<vmem>>, vector<1x16xf32>,
      %parallel_loop3A_154 = vector.shape_cast %parallel_loop3A_153 : vector<1x16xf32> to vector<16xf32>
      %parallel_loop3A_155 = arith.constant 8.000000e+00 : f32
      %parallel_loop3A_156 = vector.broadcast %parallel_loop3A_155 : f32 to vector<16xf32>
      %parallel_loop3A_157 = arith.mulf %parallel_loop3A_154, %parallel_loop3A_156 : vector<16xf32>
      %parallel_loop3A_158 = arith.index_cast %parallel_loop3A_126 : i32 to index
      %parallel_loop3A_159 = arith.constant 32 : index
      %parallel_loop3A_160 = tpu.vector_load %arg10[%parallel_loop3A_158, %parallel_loop3A_159] {strides = array<i32>} : memref<400x64xf32, #tpu.memory_space<vmem>>, vector<1x16xf32>,
      %parallel_loop3A_161 = vector.shape_cast %parallel_loop3A_160 : vector<1x16xf32> to vector<16xf32>
      %parallel_loop3A_162 = vector.shape_cast %parallel_loop3A_157 : vector<16xf32> to vector<1x16xf32>
      tpu.vector_store %arg10[%parallel_loop3A_158, %parallel_loop3A_159], %parallel_loop3A_162 {strides = array<i32>} : memref<400x64xf32, #tpu.memory_space<vmem>>, vector<1x16xf32>,
      %parallel_loop3A_163 = arith.index_cast %parallel_loop3A_126 : i32 to index
      %parallel_loop3A_164 = arith.constant 48 : index
      %parallel_loop3A_165 = tpu.vector_load %arg8[%parallel_loop3A_163, %parallel_loop3A_164] {strides = array<i32>} : memref<400x64xf32, #tpu.memory_space<vmem>>, vector<1x16xf32>,
      %parallel_loop3A_166 = vector.shape_cast %parallel_loop3A_165 : vector<1x16xf32> to vector<16xf32>
      %parallel_loop3A_167 = arith.constant 8.000000e+00 : f32
      %parallel_loop3A_168 = vector.broadcast %parallel_loop3A_167 : f32 to vector<16xf32>
      %parallel_loop3A_169 = arith.mulf %parallel_loop3A_166, %parallel_loop3A_168 : vector<16xf32>
      %parallel_loop3A_170 = arith.index_cast %parallel_loop3A_126 : i32 to index
      %parallel_loop3A_171 = arith.constant 48 : index
      %parallel_loop3A_172 = tpu.vector_load %arg10[%parallel_loop3A_170, %parallel_loop3A_171] {strides = array<i32>} : memref<400x64xf32, #tpu.memory_space<vmem>>, vector<1x16xf32>,
      %parallel_loop3A_173 = vector.shape_cast %parallel_loop3A_172 : vector<1x16xf32> to vector<16xf32>
      %parallel_loop3A_174 = vector.shape_cast %parallel_loop3A_169 : vector<16xf32> to vector<1x16xf32>
      tpu.vector_store %arg10[%parallel_loop3A_170, %parallel_loop3A_171], %parallel_loop3A_174 {strides = array<i32>} : memref<400x64xf32, #tpu.memory_space<vmem>>, vector<1x16xf32>,
    } {sc.loop_unroll_factor = 8 : i64, sc.parallel_access}
    %min3A_67 = arith.constant 1 : i32
    %min3A_68 = arith.constant 63 : i32
    %min3A_69 = arith.minsi %min3A_67, %min3A_68 : i32
    %mul3A_70 = arith.constant 400 : i32
    %mul3A_71 = arith.muli %min3A_69, %mul3A_70 : i32
    %add3A_72 = arith.addi %mul3A_2, %mul3A_71 : i32
    %dma_start3A_73 = arith.constant 0 : i32
    %dma_start3A_74 = tpu.memref_slice %arg4[%add3A_72, %dma_start3A_73] : memref<819200x64xf32, #tpu.memory_space<hbm>> -> memref<400x64xf32, #tpu.memory_space<hbm>>
    %dma_start3A_75 = arith.constant 0 : i32
    %dma_start3A_76 = tpu.memref_slice %arg4[%add3A_72, %dma_start3A_75] : memref<819200x64xf32, #tpu.memory_space<hbm>> -> memref<400x64xf32, #tpu.memory_space<hbm>>
    tpu.enqueue_dma source(%arg10 : memref<400x64xf32, #tpu.memory_space<vmem>>) target(%dma_start3A_76 : memref<400x64xf32, #tpu.memory_space<hbm>>) target_semaphore(%arg13 : memref<!tpu.dma_semaphore, #tpu.memory_space<semaphore_mem>>)
    %min3A_77 = arith.constant 3 : i32
    %min3A_78 = arith.constant 63 : i32
    %min3A_79 = arith.minsi %min3A_77, %min3A_78 : i32
    %mul3A_80 = arith.constant 400 : i32
    %mul3A_81 = arith.muli %min3A_79, %mul3A_80 : i32
    %add3A_82 = arith.addi %mul3A_2, %mul3A_81 : i32
    %dma_start3A_83 = tpu.memref_slice %arg2[%add3A_82] : memref<819200xi32, #tpu.memory_space<hbm>> -> memref<400xi32, #tpu.memory_space<hbm>>
    %dma_start3A_84 = tpu.memref_slice %arg2[%add3A_82] : memref<819200xi32, #tpu.memory_space<hbm>> -> memref<400xi32, #tpu.memory_space<hbm>>
    tpu.enqueue_dma source(%dma_start3A_84 : memref<400xi32, #tpu.memory_space<hbm>>) target(%arg6 : memref<400xi32, #tpu.memory_space<vmem>>) target_semaphore(%arg11 : memref<!tpu.dma_semaphore, #tpu.memory_space<semaphore_mem>>)
    %scan3A = arith.constant 0 : i32
    %scan3A_85 = arith.constant 1 : i32
    %scan3A_86 = arith.constant 31 : i32
    %scan3A_87 = arith.addi %scan3A_85, %scan3A_86 : i32
    %scan3A_88 = arith.constant 1 : i32
    scf.for %scan3A_126 = %scan3A_85 to %scan3A_87 step %scan3A_88  : i32 {
      %mul3A_127 = arith.constant 2 : i32
      %mul3A_128 = arith.muli %mul3A_127, %scan3A_126 : i32
      %min3A_129 = arith.constant 63 : i32
      %min3A_130 = arith.minsi %mul3A_128, %min3A_129 : i32
      %mul3A_131 = arith.constant 400 : i32
      %mul3A_132 = arith.muli %min3A_130, %mul3A_131 : i32
      %add3A_133 = arith.addi %mul3A_2, %mul3A_132 : i32
      %dma_wait3A_134 = tpu.memref_slice %arg2[%add3A_133] : memref<819200xi32, #tpu.memory_space<hbm>> -> memref<400xi32, #tpu.memory_space<hbm>>
      %dma_wait3A_135 = tpu.memref_slice %arg2[%add3A_133] : memref<819200xi32, #tpu.memory_space<hbm>> -> memref<400xi32, #tpu.memory_space<hbm>>
      tpu.wait_dma2 semaphore(%arg11 : memref<!tpu.dma_semaphore, #tpu.memory_space<semaphore_mem>>) src(%dma_wait3A_135 : memref<400xi32, #tpu.memory_space<hbm>>) dst(%arg5 : memref<400xi32, #tpu.memory_space<vmem>>)
      %dma_start3A_136 = arith.constant 0 : i32
      %dma_start3A_137 = arith.constant 0 : i32
      %dma_start3A_138 = tpu.memref_slice %arg3[%dma_start3A_136, %dma_start3A_137] : memref<1000000x64xf32, #tpu.memory_space<hbm>> -> memref<1000000x64xf32, #tpu.memory_space<hbm>>
      tpu.enqueue_indirect_dma source(%dma_start3A_138 : memref<1000000x64xf32, #tpu.memory_space<hbm>>) target(%arg7 : memref<400x64xf32, #tpu.memory_space<vmem>>) offsets(%arg5 : memref<400xi32, #tpu.memory_space<vmem>>) semaphore(%arg12 : memref<!tpu.dma_semaphore, #tpu.memory_space<semaphore_mem>>)
      %add3A_139 = arith.constant 1 : i32
      %add3A_140 = arith.addi %mul3A_128, %add3A_139 : i32
      %min3A_141 = arith.constant 63 : i32
      %min3A_142 = arith.minsi %add3A_140, %min3A_141 : i32
      %mul3A_143 = arith.constant 400 : i32
      %mul3A_144 = arith.muli %min3A_142, %mul3A_143 : i32
      %add3A_145 = arith.addi %mul3A_2, %mul3A_144 : i32
      %dma_wait3A_146 = tpu.memref_slice %arg2[%add3A_145] : memref<819200xi32, #tpu.memory_space<hbm>> -> memref<400xi32, #tpu.memory_space<hbm>>
      %dma_wait3A_147 = tpu.memref_slice %arg2[%add3A_145] : memref<819200xi32, #tpu.memory_space<hbm>> -> memref<400xi32, #tpu.memory_space<hbm>>
      tpu.wait_dma2 semaphore(%arg11 : memref<!tpu.dma_semaphore, #tpu.memory_space<semaphore_mem>>) src(%dma_wait3A_147 : memref<400xi32, #tpu.memory_space<hbm>>) dst(%arg6 : memref<400xi32, #tpu.memory_space<vmem>>)
      %dma_start3A_148 = arith.constant 0 : i32
      %dma_start3A_149 = arith.constant 0 : i32
      %dma_start3A_150 = tpu.memref_slice %arg3[%dma_start3A_148, %dma_start3A_149] : memref<1000000x64xf32, #tpu.memory_space<hbm>> -> memref<1000000x64xf32, #tpu.memory_space<hbm>>
      tpu.enqueue_indirect_dma source(%dma_start3A_150 : memref<1000000x64xf32, #tpu.memory_space<hbm>>) target(%arg8 : memref<400x64xf32, #tpu.memory_space<vmem>>) offsets(%arg6 : memref<400xi32, #tpu.memory_space<vmem>>) semaphore(%arg12 : memref<!tpu.dma_semaphore, #tpu.memory_space<semaphore_mem>>)
      %min3A_151 = arith.constant 63 : i32
      %min3A_152 = arith.minsi %mul3A_128, %min3A_151 : i32
      %mul3A_153 = arith.constant 400 : i32
      %mul3A_154 = arith.muli %min3A_152, %mul3A_153 : i32
      %add3A_155 = arith.addi %mul3A_2, %mul3A_154 : i32
      %dma_wait3A_156 = arith.constant 0 : i32
      %dma_wait3A_157 = tpu.memref_slice %arg4[%add3A_155, %dma_wait3A_156] : memref<819200x64xf32, #tpu.memory_space<hbm>> -> memref<400x64xf32, #tpu.memory_space<hbm>>
      %dma_wait3A_158 = arith.constant 0 : i32
      %dma_wait3A_159 = tpu.memref_slice %arg4[%add3A_155, %dma_wait3A_158] : memref<819200x64xf32, #tpu.memory_space<hbm>> -> memref<400x64xf32, #tpu.memory_space<hbm>>
      tpu.wait_dma2 semaphore(%arg13 : memref<!tpu.dma_semaphore, #tpu.memory_space<semaphore_mem>>) src(%arg9 : memref<400x64xf32, #tpu.memory_space<vmem>>) dst(%dma_wait3A_159 : memref<400x64xf32, #tpu.memory_space<hbm>>)
      %dma_wait3A_160 = arith.constant 0 : i32
      %dma_wait3A_161 = arith.constant 0 : i32
      %dma_wait3A_162 = tpu.memref_slice %arg3[%dma_wait3A_160, %dma_wait3A_161] : memref<1000000x64xf32, #tpu.memory_space<hbm>> -> memref<1000000x64xf32, #tpu.memory_space<hbm>>
      tpu.wait_indirect_dma semaphore(%arg12 : memref<!tpu.dma_semaphore, #tpu.memory_space<semaphore_mem>>) src(%dma_wait3A_162 : memref<1000000x64xf32, #tpu.memory_space<hbm>>) dst(%arg7 : memref<400x64xf32, #tpu.memory_space<vmem>>)
      %parallel_loop3A_163 = arith.constant 0 : i32
      %parallel_loop3A_164 = arith.constant 400 : i32
      %parallel_loop3A_165 = arith.constant 1 : i32
      scf.for %parallel_loop3A_219 = %parallel_loop3A_163 to %parallel_loop3A_164 step %parallel_loop3A_165  : i32 {
        %parallel_loop3A_220 = arith.index_cast %parallel_loop3A_219 : i32 to index
        %parallel_loop3A_221 = arith.constant 0 : index
        %parallel_loop3A_222 = tpu.vector_load %arg7[%parallel_loop3A_220, %parallel_loop3A_221] {strides = array<i32>} : memref<400x64xf32, #tpu.memory_space<vmem>>, vector<1x16xf32>,
        %parallel_loop3A_223 = vector.shape_cast %parallel_loop3A_222 : vector<1x16xf32> to vector<16xf32>
        %parallel_loop3A_224 = arith.constant 8.000000e+00 : f32
        %parallel_loop3A_225 = vector.broadcast %parallel_loop3A_224 : f32 to vector<16xf32>
        %parallel_loop3A_226 = arith.mulf %parallel_loop3A_223, %parallel_loop3A_225 : vector<16xf32>
        %parallel_loop3A_227 = arith.index_cast %parallel_loop3A_219 : i32 to index
        %parallel_loop3A_228 = arith.constant 0 : index
        %parallel_loop3A_229 = tpu.vector_load %arg9[%parallel_loop3A_227, %parallel_loop3A_228] {strides = array<i32>} : memref<400x64xf32, #tpu.memory_space<vmem>>, vector<1x16xf32>,
        %parallel_loop3A_230 = vector.shape_cast %parallel_loop3A_229 : vector<1x16xf32> to vector<16xf32>
        %parallel_loop3A_231 = vector.shape_cast %parallel_loop3A_226 : vector<16xf32> to vector<1x16xf32>
        tpu.vector_store %arg9[%parallel_loop3A_227, %parallel_loop3A_228], %parallel_loop3A_231 {strides = array<i32>} : memref<400x64xf32, #tpu.memory_space<vmem>>, vector<1x16xf32>,
        %parallel_loop3A_232 = arith.index_cast %parallel_loop3A_219 : i32 to index
        %parallel_loop3A_233 = arith.constant 16 : index
        %parallel_loop3A_234 = tpu.vector_load %arg7[%parallel_loop3A_232, %parallel_loop3A_233] {strides = array<i32>} : memref<400x64xf32, #tpu.memory_space<vmem>>, vector<1x16xf32>,
        %parallel_loop3A_235 = vector.shape_cast %parallel_loop3A_234 : vector<1x16xf32> to vector<16xf32>
        %parallel_loop3A_236 = arith.constant 8.000000e+00 : f32
        %parallel_loop3A_237 = vector.broadcast %parallel_loop3A_236 : f32 to vector<16xf32>
        %parallel_loop3A_238 = arith.mulf %parallel_loop3A_235, %parallel_loop3A_237 : vector<16xf32>
        %parallel_loop3A_239 = arith.index_cast %parallel_loop3A_219 : i32 to index
        %parallel_loop3A_240 = arith.constant 16 : index
        %parallel_loop3A_241 = tpu.vector_load %arg9[%parallel_loop3A_239, %parallel_loop3A_240] {strides = array<i32>} : memref<400x64xf32, #tpu.memory_space<vmem>>, vector<1x16xf32>,
        %parallel_loop3A_242 = vector.shape_cast %parallel_loop3A_241 : vector<1x16xf32> to vector<16xf32>
        %parallel_loop3A_243 = vector.shape_cast %parallel_loop3A_238 : vector<16xf32> to vector<1x16xf32>
        tpu.vector_store %arg9[%parallel_loop3A_239, %parallel_loop3A_240], %parallel_loop3A_243 {strides = array<i32>} : memref<400x64xf32, #tpu.memory_space<vmem>>, vector<1x16xf32>,
        %parallel_loop3A_244 = arith.index_cast %parallel_loop3A_219 : i32 to index
        %parallel_loop3A_245 = arith.constant 32 : index
        %parallel_loop3A_246 = tpu.vector_load %arg7[%parallel_loop3A_244, %parallel_loop3A_245] {strides = array<i32>} : memref<400x64xf32, #tpu.memory_space<vmem>>, vector<1x16xf32>,
        %parallel_loop3A_247 = vector.shape_cast %parallel_loop3A_246 : vector<1x16xf32> to vector<16xf32>
        %parallel_loop3A_248 = arith.constant 8.000000e+00 : f32
        %parallel_loop3A_249 = vector.broadcast %parallel_loop3A_248 : f32 to vector<16xf32>
        %parallel_loop3A_250 = arith.mulf %parallel_loop3A_247, %parallel_loop3A_249 : vector<16xf32>
        %parallel_loop3A_251 = arith.index_cast %parallel_loop3A_219 : i32 to index
        %parallel_loop3A_252 = arith.constant 32 : index
        %parallel_loop3A_253 = tpu.vector_load %arg9[%parallel_loop3A_251, %parallel_loop3A_252] {strides = array<i32>} : memref<400x64xf32, #tpu.memory_space<vmem>>, vector<1x16xf32>,
        %parallel_loop3A_254 = vector.shape_cast %parallel_loop3A_253 : vector<1x16xf32> to vector<16xf32>
        %parallel_loop3A_255 = vector.shape_cast %parallel_loop3A_250 : vector<16xf32> to vector<1x16xf32>
        tpu.vector_store %arg9[%parallel_loop3A_251, %parallel_loop3A_252], %parallel_loop3A_255 {strides = array<i32>} : memref<400x64xf32, #tpu.memory_space<vmem>>, vector<1x16xf32>,
        %parallel_loop3A_256 = arith.index_cast %parallel_loop3A_219 : i32 to index
        %parallel_loop3A_257 = arith.constant 48 : index
        %parallel_loop3A_258 = tpu.vector_load %arg7[%parallel_loop3A_256, %parallel_loop3A_257] {strides = array<i32>} : memref<400x64xf32, #tpu.memory_space<vmem>>, vector<1x16xf32>,
        %parallel_loop3A_259 = vector.shape_cast %parallel_loop3A_258 : vector<1x16xf32> to vector<16xf32>
        %parallel_loop3A_260 = arith.constant 8.000000e+00 : f32
        %parallel_loop3A_261 = vector.broadcast %parallel_loop3A_260 : f32 to vector<16xf32>
        %parallel_loop3A_262 = arith.mulf %parallel_loop3A_259, %parallel_loop3A_261 : vector<16xf32>
        %parallel_loop3A_263 = arith.index_cast %parallel_loop3A_219 : i32 to index
        %parallel_loop3A_264 = arith.constant 48 : index
        %parallel_loop3A_265 = tpu.vector_load %arg9[%parallel_loop3A_263, %parallel_loop3A_264] {strides = array<i32>} : memref<400x64xf32, #tpu.memory_space<vmem>>, vector<1x16xf32>,
        %parallel_loop3A_266 = vector.shape_cast %parallel_loop3A_265 : vector<1x16xf32> to vector<16xf32>
        %parallel_loop3A_267 = vector.shape_cast %parallel_loop3A_262 : vector<16xf32> to vector<1x16xf32>
        tpu.vector_store %arg9[%parallel_loop3A_263, %parallel_loop3A_264], %parallel_loop3A_267 {strides = array<i32>} : memref<400x64xf32, #tpu.memory_space<vmem>>, vector<1x16xf32>,
      } {sc.loop_unroll_factor = 8 : i64, sc.parallel_access}
      %min3A_166 = arith.constant 63 : i32
      %min3A_167 = arith.minsi %mul3A_128, %min3A_166 : i32
      %mul3A_168 = arith.constant 400 : i32
      %mul3A_169 = arith.muli %min3A_167, %mul3A_168 : i32
      %add3A_170 = arith.addi %mul3A_2, %mul3A_169 : i32
      %dma_start3A_171 = arith.constant 0 : i32
      %dma_start3A_172 = tpu.memref_slice %arg4[%add3A_170, %dma_start3A_171] : memref<819200x64xf32, #tpu.memory_space<hbm>> -> memref<400x64xf32, #tpu.memory_space<hbm>>
      %dma_start3A_173 = arith.constant 0 : i32
      %dma_start3A_174 = tpu.memref_slice %arg4[%add3A_170, %dma_start3A_173] : memref<819200x64xf32, #tpu.memory_space<hbm>> -> memref<400x64xf32, #tpu.memory_space<hbm>>
      tpu.enqueue_dma source(%arg9 : memref<400x64xf32, #tpu.memory_space<vmem>>) target(%dma_start3A_174 : memref<400x64xf32, #tpu.memory_space<hbm>>) target_semaphore(%arg13 : memref<!tpu.dma_semaphore, #tpu.memory_space<semaphore_mem>>)
      %add3A_175 = arith.constant 2 : i32
      %add3A_176 = arith.addi %mul3A_128, %add3A_175 : i32
      %min3A_177 = arith.constant 63 : i32
      %min3A_178 = arith.minsi %add3A_176, %min3A_177 : i32
      %mul3A_179 = arith.constant 400 : i32
      %mul3A_180 = arith.muli %min3A_178, %mul3A_179 : i32
      %add3A_181 = arith.addi %mul3A_2, %mul3A_180 : i32
      %dma_start3A_182 = tpu.memref_slice %arg2[%add3A_181] : memref<819200xi32, #tpu.memory_space<hbm>> -> memref<400xi32, #tpu.memory_space<hbm>>
      %dma_start3A_183 = tpu.memref_slice %arg2[%add3A_181] : memref<819200xi32, #tpu.memory_space<hbm>> -> memref<400xi32, #tpu.memory_space<hbm>>
      tpu.enqueue_dma source(%dma_start3A_183 : memref<400xi32, #tpu.memory_space<hbm>>) target(%arg5 : memref<400xi32, #tpu.memory_space<vmem>>) target_semaphore(%arg11 : memref<!tpu.dma_semaphore, #tpu.memory_space<semaphore_mem>>)
      %add3A_184 = arith.constant 1 : i32
      %add3A_185 = arith.addi %mul3A_128, %add3A_184 : i32
      %min3A_186 = arith.constant 63 : i32
      %min3A_187 = arith.minsi %add3A_185, %min3A_186 : i32
      %mul3A_188 = arith.constant 400 : i32
      %mul3A_189 = arith.muli %min3A_187, %mul3A_188 : i32
      %add3A_190 = arith.addi %mul3A_2, %mul3A_189 : i32
      %dma_wait3A_191 = arith.constant 0 : i32
      %dma_wait3A_192 = tpu.memref_slice %arg4[%add3A_190, %dma_wait3A_191] : memref<819200x64xf32, #tpu.memory_space<hbm>> -> memref<400x64xf32, #tpu.memory_space<hbm>>
      %dma_wait3A_193 = arith.constant 0 : i32
      %dma_wait3A_194 = tpu.memref_slice %arg4[%add3A_190, %dma_wait3A_193] : memref<819200x64xf32, #tpu.memory_space<hbm>> -> memref<400x64xf32, #tpu.memory_space<hbm>>
      tpu.wait_dma2 semaphore(%arg13 : memref<!tpu.dma_semaphore, #tpu.memory_space<semaphore_mem>>) src(%arg10 : memref<400x64xf32, #tpu.memory_space<vmem>>) dst(%dma_wait3A_194 : memref<400x64xf32, #tpu.memory_space<hbm>>)
      %dma_wait3A_195 = arith.constant 0 : i32
      %dma_wait3A_196 = arith.constant 0 : i32
      %dma_wait3A_197 = tpu.memref_slice %arg3[%dma_wait3A_195, %dma_wait3A_196] : memref<1000000x64xf32, #tpu.memory_space<hbm>> -> memref<1000000x64xf32, #tpu.memory_space<hbm>>
      tpu.wait_indirect_dma semaphore(%arg12 : memref<!tpu.dma_semaphore, #tpu.memory_space<semaphore_mem>>) src(%dma_wait3A_197 : memref<1000000x64xf32, #tpu.memory_space<hbm>>) dst(%arg8 : memref<400x64xf32, #tpu.memory_space<vmem>>)
      %parallel_loop3A_198 = arith.constant 0 : i32
      %parallel_loop3A_199 = arith.constant 400 : i32
      %parallel_loop3A_200 = arith.constant 1 : i32
      scf.for %parallel_loop3A_219 = %parallel_loop3A_198 to %parallel_loop3A_199 step %parallel_loop3A_200  : i32 {
        %parallel_loop3A_220 = arith.index_cast %parallel_loop3A_219 : i32 to index
        %parallel_loop3A_221 = arith.constant 0 : index
        %parallel_loop3A_222 = tpu.vector_load %arg8[%parallel_loop3A_220, %parallel_loop3A_221] {strides = array<i32>} : memref<400x64xf32, #tpu.memory_space<vmem>>, vector<1x16xf32>,
        %parallel_loop3A_223 = vector.shape_cast %parallel_loop3A_222 : vector<1x16xf32> to vector<16xf32>
        %parallel_loop3A_224 = arith.constant 8.000000e+00 : f32
        %parallel_loop3A_225 = vector.broadcast %parallel_loop3A_224 : f32 to vector<16xf32>
        %parallel_loop3A_226 = arith.mulf %parallel_loop3A_223, %parallel_loop3A_225 : vector<16xf32>
        %parallel_loop3A_227 = arith.index_cast %parallel_loop3A_219 : i32 to index
        %parallel_loop3A_228 = arith.constant 0 : index
        %parallel_loop3A_229 = tpu.vector_load %arg10[%parallel_loop3A_227, %parallel_loop3A_228] {strides = array<i32>} : memref<400x64xf32, #tpu.memory_space<vmem>>, vector<1x16xf32>,
        %parallel_loop3A_230 = vector.shape_cast %parallel_loop3A_229 : vector<1x16xf32> to vector<16xf32>
        %parallel_loop3A_231 = vector.shape_cast %parallel_loop3A_226 : vector<16xf32> to vector<1x16xf32>
        tpu.vector_store %arg10[%parallel_loop3A_227, %parallel_loop3A_228], %parallel_loop3A_231 {strides = array<i32>} : memref<400x64xf32, #tpu.memory_space<vmem>>, vector<1x16xf32>,
        %parallel_loop3A_232 = arith.index_cast %parallel_loop3A_219 : i32 to index
        %parallel_loop3A_233 = arith.constant 16 : index
        %parallel_loop3A_234 = tpu.vector_load %arg8[%parallel_loop3A_232, %parallel_loop3A_233] {strides = array<i32>} : memref<400x64xf32, #tpu.memory_space<vmem>>, vector<1x16xf32>,
        %parallel_loop3A_235 = vector.shape_cast %parallel_loop3A_234 : vector<1x16xf32> to vector<16xf32>
        %parallel_loop3A_236 = arith.constant 8.000000e+00 : f32
        %parallel_loop3A_237 = vector.broadcast %parallel_loop3A_236 : f32 to vector<16xf32>
        %parallel_loop3A_238 = arith.mulf %parallel_loop3A_235, %parallel_loop3A_237 : vector<16xf32>
        %parallel_loop3A_239 = arith.index_cast %parallel_loop3A_219 : i32 to index
        %parallel_loop3A_240 = arith.constant 16 : index
        %parallel_loop3A_241 = tpu.vector_load %arg10[%parallel_loop3A_239, %parallel_loop3A_240] {strides = array<i32>} : memref<400x64xf32, #tpu.memory_space<vmem>>, vector<1x16xf32>,
        %parallel_loop3A_242 = vector.shape_cast %parallel_loop3A_241 : vector<1x16xf32> to vector<16xf32>
        %parallel_loop3A_243 = vector.shape_cast %parallel_loop3A_238 : vector<16xf32> to vector<1x16xf32>
        tpu.vector_store %arg10[%parallel_loop3A_239, %parallel_loop3A_240], %parallel_loop3A_243 {strides = array<i32>} : memref<400x64xf32, #tpu.memory_space<vmem>>, vector<1x16xf32>,
        %parallel_loop3A_244 = arith.index_cast %parallel_loop3A_219 : i32 to index
        %parallel_loop3A_245 = arith.constant 32 : index
        %parallel_loop3A_246 = tpu.vector_load %arg8[%parallel_loop3A_244, %parallel_loop3A_245] {strides = array<i32>} : memref<400x64xf32, #tpu.memory_space<vmem>>, vector<1x16xf32>,
        %parallel_loop3A_247 = vector.shape_cast %parallel_loop3A_246 : vector<1x16xf32> to vector<16xf32>
        %parallel_loop3A_248 = arith.constant 8.000000e+00 : f32
        %parallel_loop3A_249 = vector.broadcast %parallel_loop3A_248 : f32 to vector<16xf32>
        %parallel_loop3A_250 = arith.mulf %parallel_loop3A_247, %parallel_loop3A_249 : vector<16xf32>
        %parallel_loop3A_251 = arith.index_cast %parallel_loop3A_219 : i32 to index
        %parallel_loop3A_252 = arith.constant 32 : index
        %parallel_loop3A_253 = tpu.vector_load %arg10[%parallel_loop3A_251, %parallel_loop3A_252] {strides = array<i32>} : memref<400x64xf32, #tpu.memory_space<vmem>>, vector<1x16xf32>,
        %parallel_loop3A_254 = vector.shape_cast %parallel_loop3A_253 : vector<1x16xf32> to vector<16xf32>
        %parallel_loop3A_255 = vector.shape_cast %parallel_loop3A_250 : vector<16xf32> to vector<1x16xf32>
        tpu.vector_store %arg10[%parallel_loop3A_251, %parallel_loop3A_252], %parallel_loop3A_255 {strides = array<i32>} : memref<400x64xf32, #tpu.memory_space<vmem>>, vector<1x16xf32>,
        %parallel_loop3A_256 = arith.index_cast %parallel_loop3A_219 : i32 to index
        %parallel_loop3A_257 = arith.constant 48 : index
        %parallel_loop3A_258 = tpu.vector_load %arg8[%parallel_loop3A_256, %parallel_loop3A_257] {strides = array<i32>} : memref<400x64xf32, #tpu.memory_space<vmem>>, vector<1x16xf32>,
        %parallel_loop3A_259 = vector.shape_cast %parallel_loop3A_258 : vector<1x16xf32> to vector<16xf32>
        %parallel_loop3A_260 = arith.constant 8.000000e+00 : f32
        %parallel_loop3A_261 = vector.broadcast %parallel_loop3A_260 : f32 to vector<16xf32>
        %parallel_loop3A_262 = arith.mulf %parallel_loop3A_259, %parallel_loop3A_261 : vector<16xf32>
        %parallel_loop3A_263 = arith.index_cast %parallel_loop3A_219 : i32 to index
        %parallel_loop3A_264 = arith.constant 48 : index
        %parallel_loop3A_265 = tpu.vector_load %arg10[%parallel_loop3A_263, %parallel_loop3A_264] {strides = array<i32>} : memref<400x64xf32, #tpu.memory_space<vmem>>, vector<1x16xf32>,
        %parallel_loop3A_266 = vector.shape_cast %parallel_loop3A_265 : vector<1x16xf32> to vector<16xf32>
        %parallel_loop3A_267 = vector.shape_cast %parallel_loop3A_262 : vector<16xf32> to vector<1x16xf32>
        tpu.vector_store %arg10[%parallel_loop3A_263, %parallel_loop3A_264], %parallel_loop3A_267 {strides = array<i32>} : memref<400x64xf32, #tpu.memory_space<vmem>>, vector<1x16xf32>,
      } {sc.loop_unroll_factor = 8 : i64, sc.parallel_access}
      %min3A_201 = arith.constant 63 : i32
      %min3A_202 = arith.minsi %add3A_185, %min3A_201 : i32
      %mul3A_203 = arith.constant 400 : i32
      %mul3A_204 = arith.muli %min3A_202, %mul3A_203 : i32
      %add3A_205 = arith.addi %mul3A_2, %mul3A_204 : i32
      %dma_start3A_206 = arith.constant 0 : i32
      %dma_start3A_207 = tpu.memref_slice %arg4[%add3A_205, %dma_start3A_206] : memref<819200x64xf32, #tpu.memory_space<hbm>> -> memref<400x64xf32, #tpu.memory_space<hbm>>
      %dma_start3A_208 = arith.constant 0 : i32
      %dma_start3A_209 = tpu.memref_slice %arg4[%add3A_205, %dma_start3A_208] : memref<819200x64xf32, #tpu.memory_space<hbm>> -> memref<400x64xf32, #tpu.memory_space<hbm>>
      tpu.enqueue_dma source(%arg10 : memref<400x64xf32, #tpu.memory_space<vmem>>) target(%dma_start3A_209 : memref<400x64xf32, #tpu.memory_space<hbm>>) target_semaphore(%arg13 : memref<!tpu.dma_semaphore, #tpu.memory_space<semaphore_mem>>)
      %add3A_210 = arith.constant 2 : i32
      %add3A_211 = arith.addi %add3A_185, %add3A_210 : i32
      %min3A_212 = arith.constant 63 : i32
      %min3A_213 = arith.minsi %add3A_211, %min3A_212 : i32
      %mul3A_214 = arith.constant 400 : i32
      %mul3A_215 = arith.muli %min3A_213, %mul3A_214 : i32
      %add3A_216 = arith.addi %mul3A_2, %mul3A_215 : i32
      %dma_start3A_217 = tpu.memref_slice %arg2[%add3A_216] : memref<819200xi32, #tpu.memory_space<hbm>> -> memref<400xi32, #tpu.memory_space<hbm>>
      %dma_start3A_218 = tpu.memref_slice %arg2[%add3A_216] : memref<819200xi32, #tpu.memory_space<hbm>> -> memref<400xi32, #tpu.memory_space<hbm>>
      tpu.enqueue_dma source(%dma_start3A_218 : memref<400xi32, #tpu.memory_space<hbm>>) target(%arg6 : memref<400xi32, #tpu.memory_space<vmem>>) target_semaphore(%arg11 : memref<!tpu.dma_semaphore, #tpu.memory_space<semaphore_mem>>)
    }
    %scan3A_89 = arith.constant 31 : i32
    %min3A_90 = arith.constant 64 : i32
    %min3A_91 = arith.constant 63 : i32
    %min3A_92 = arith.minsi %min3A_90, %min3A_91 : i32
    %mul3A_93 = arith.constant 400 : i32
    %mul3A_94 = arith.muli %min3A_92, %mul3A_93 : i32
    %add3A_95 = arith.addi %mul3A_2, %mul3A_94 : i32
    %dma_wait3A_96 = tpu.memref_slice %arg2[%add3A_95] : memref<819200xi32, #tpu.memory_space<hbm>> -> memref<400xi32, #tpu.memory_space<hbm>>
    %dma_wait3A_97 = tpu.memref_slice %arg2[%add3A_95] : memref<819200xi32, #tpu.memory_space<hbm>> -> memref<400xi32, #tpu.memory_space<hbm>>
    tpu.wait_dma2 semaphore(%arg11 : memref<!tpu.dma_semaphore, #tpu.memory_space<semaphore_mem>>) src(%dma_wait3A_97 : memref<400xi32, #tpu.memory_space<hbm>>) dst(%arg5 : memref<400xi32, #tpu.memory_space<vmem>>)
    %min3A_98 = arith.constant 65 : i32
    %min3A_99 = arith.constant 63 : i32
    %min3A_100 = arith.minsi %min3A_98, %min3A_99 : i32
    %mul3A_101 = arith.constant 400 : i32
    %mul3A_102 = arith.muli %min3A_100, %mul3A_101 : i32
    %add3A_103 = arith.addi %mul3A_2, %mul3A_102 : i32
    %dma_wait3A_104 = tpu.memref_slice %arg2[%add3A_103] : memref<819200xi32, #tpu.memory_space<hbm>> -> memref<400xi32, #tpu.memory_space<hbm>>
    %dma_wait3A_105 = tpu.memref_slice %arg2[%add3A_103] : memref<819200xi32, #tpu.memory_space<hbm>> -> memref<400xi32, #tpu.memory_space<hbm>>
    tpu.wait_dma2 semaphore(%arg11 : memref<!tpu.dma_semaphore, #tpu.memory_space<semaphore_mem>>) src(%dma_wait3A_105 : memref<400xi32, #tpu.memory_space<hbm>>) dst(%arg6 : memref<400xi32, #tpu.memory_space<vmem>>)
    %min3A_106 = arith.constant 0 : i32
    %min3A_107 = arith.constant 63 : i32
    %min3A_108 = arith.minsi %min3A_106, %min3A_107 : i32
    %mul3A_109 = arith.constant 400 : i32
    %mul3A_110 = arith.muli %min3A_108, %mul3A_109 : i32
    %add3A_111 = arith.addi %mul3A_2, %mul3A_110 : i32
    %dma_wait3A_112 = arith.constant 0 : i32
    %dma_wait3A_113 = tpu.memref_slice %arg4[%add3A_111, %dma_wait3A_112] : memref<819200x64xf32, #tpu.memory_space<hbm>> -> memref<400x64xf32, #tpu.memory_space<hbm>>
    %dma_wait3A_114 = arith.constant 0 : i32
    %dma_wait3A_115 = tpu.memref_slice %arg4[%add3A_111, %dma_wait3A_114] : memref<819200x64xf32, #tpu.memory_space<hbm>> -> memref<400x64xf32, #tpu.memory_space<hbm>>
    tpu.wait_dma2 semaphore(%arg13 : memref<!tpu.dma_semaphore, #tpu.memory_space<semaphore_mem>>) src(%arg9 : memref<400x64xf32, #tpu.memory_space<vmem>>) dst(%dma_wait3A_115 : memref<400x64xf32, #tpu.memory_space<hbm>>)
    %min3A_116 = arith.constant 1 : i32
    %min3A_117 = arith.constant 63 : i32
    %min3A_118 = arith.minsi %min3A_116, %min3A_117 : i32
    %mul3A_119 = arith.constant 400 : i32
    %mul3A_120 = arith.muli %min3A_118, %mul3A_119 : i32
    %add3A_121 = arith.addi %mul3A_2, %mul3A_120 : i32
    %dma_wait3A_122 = arith.constant 0 : i32
    %dma_wait3A_123 = tpu.memref_slice %arg4[%add3A_121, %dma_wait3A_122] : memref<819200x64xf32, #tpu.memory_space<hbm>> -> memref<400x64xf32, #tpu.memory_space<hbm>>
    %dma_wait3A_124 = arith.constant 0 : i32
    %dma_wait3A_125 = tpu.memref_slice %arg4[%add3A_121, %dma_wait3A_124] : memref<819200x64xf32, #tpu.memory_space<hbm>> -> memref<400x64xf32, #tpu.memory_space<hbm>>
    tpu.wait_dma2 semaphore(%arg13 : memref<!tpu.dma_semaphore, #tpu.memory_space<semaphore_mem>>) src(%arg10 : memref<400x64xf32, #tpu.memory_space<vmem>>) dst(%dma_wait3A_125 : memref<400x64xf32, #tpu.memory_space<hbm>>)
    return
  }
}

</mosaic_0001>

<sc_bundles>
// kernel: kernel.3.cloned.1.call-start
scs
__scs_entry_jumppad:
0x0: {  	(pc) =	sbr.rel $0x88, $3  }
0x1: {  	(tag) =	ssettag $0x0;
	lr =	simm.s32 $0x1  }
0x2: {  	[smem:$0x3F9F] =	sst lr;
	_ =	strace $0xD0000000  }
0x3: {  	_ = 	snop  }
0x4: {  	_ = 	snop  }
0x5: {  	_ = 	snop  }
0x6: {  	_ = 	snop  }
0x7: {  	_ = 	snop  }
__scs_overlays_trampoline_lowered:
0x8: {  	[smem:$0x3FAE] =	sst s0  }
0x9: {  	[smem:$0x3FAF] =	sst s1  }
0xa: {  	[smem:$0x3FB0] =	sst s2  }
0xb: {  	[smem:$0x3FB1] =	sst s3  }
0xc: {  	[smem:$0x3FB2] =	sst s4  }
0xd: {  	[smem:$0x3FB3] =	sst s5  }
0xe: {  	[smem:$0x3FB4] =	sst s6  }
0xf: {  	[smem:$0x3FB5] =	sst s7  }
0x10: {  	[smem:$0x3FB6] =	sst s8  }
0x11: {  	[smem:$0x3FB7] =	sst s9;
	s0 =	simm.s32 @!p0 $0x0  }
0x12: {  	s1 =	sld [smem:$0x3F9D];
	s0 =	simm.s32 @p0 $0x1  }
0x13: {  	[smem:$0x3FB8] =	sst s0;
	s0 =	simm.s32 @!p1 $0x0  }
0x14: {  	s2 =	sld [smem:$0x3F9C];
	s0 =	simm.s32 @p1 $0x1  }
0x15: {  	[smem:$0x3FB9] =	sst s0;
	s0 =	simm.s32 @!p2 $0x0  }
0x16: {  	s3 =	sld [smem:$0x3FDB];
	s0 =	simm.s32 @p2 $0x1  }
0x17: {  	s4 =	simm.s32 $0x1BF5;
	[smem:$0x3FBB] =	sst s0  }
0x18: {  	s0 =	sld [smem:$0x3F9E];
	_ =	swait.ge [sflag:s4], $0x0  }
0x19: {  	s7 =	sld [smem:$0x3F9F]  }
0x1a: {  	s8 =	sadd.s32 $0xFFFFE003, lr  }
0x1b: {  	s9 =	sadd.s32 $0xFFFFFEF7, lr;
	s5 =	simm.s32 $0xFFFFFFFF;
	p2 =	slt.u32 s8, $0xFFFFF086  }
0x1c: {  	p1 =	slt.u32 s9, $0xF7A;
	s5 =	simm.s32 @!p2 $0x0  }
0x1d: {  	s5 =	simm.s32 @p1 $0x1;
	p0 =	seq.s32 s7, s2  }
0x1e: {  	s7 =	smul.u32 @!p0 $0xF7A, s2;
	p2 =	seq.s32 @!p0 s5, $0x0  }
0x1f: {  	s9 =	smul.u32 $0xF7A, s1;
	s8 =	simm.s32 @!p0 $0x1BF5;
	p2 =	por !p2, p0  }
0x20: {  	[sflag:s8] =	ssyncset.s32 @!p0 $0xFFFFF086;
	s6 =	sadd.s32 @!p0 s3, s7;
	s7 =	simm.s32 @!p0 $0x108  }
0x21: {  	s3 =	sadd.s32 s3, s9;
	s6 =	sadd.s32 @!p0 $0x88, s6;
	s7 =	simm.s32 @p2 $0x1082  }
0x22: {  	[simem:s7], [sflag:s8] =	dma.local @!p0 [hbm:s6], $0xF7A  }
0x23: {  	s9 =	sor.u32 $0xD0000000, s2;
	s6 =	simm.s32 $0x108;
	_ =	swait.ge @!p0 [sflag:s8], $0x0  }
0x24: {  	s3 =	sadd.s32 $0x88, s3;
	s6 =	simm.s32 @!p1 $0x1082;
	[sflag:s4] =	ssyncset.s32 $0xFFFFF086  }
0x25: {  	[simem:s6], [sflag:s4] =	dma.local [hbm:s3], $0xF7A  }
0x26: {  	[smem:$0x3F9F] =	sst s1;
	(tag) =	ssettag s2;
	_ =	strace s9  }
0x27: {  	s1 =	sld [smem:$0x3FAF]  }
0x28: {  	s2 =	sld [smem:$0x3FB0]  }
0x29: {  	s4 =	sld [smem:$0x3FB2]  }
0x2a: {  	p0 =	seq.s32 s5, $0x0;
	s5 =	sld [smem:$0x3FB3]  }
0x2b: {  	s6 =	sld [smem:$0x3FB4]  }
0x2c: {  	s7 =	sld [smem:$0x3FB5]  }
0x2d: {  	s3 =	simm.s32 $0x108;
	s8 =	sld [smem:$0x3FB6]  }
0x2e: {  	s3 =	simm.s32 @!p0 $0x1082;
	s9 =	sld [smem:$0x3FB7]  }
0x2f: {  	lr =	sadd.s32 s0, s3;
	s0 =	sld [smem:$0x3FAE]  }
0x30: {  	s3 =	sld [smem:$0x3FB1]  }
0x31: {  	[smem:$0x3FBA] =	sst s10  }
0x32: {  	s10 =	sld [smem:$0x3FB8];
	_ =	sdelay $0x3  }
0x33: {  	p0 =	seq.s32 s10, $0x1;
	s10 =	sld [smem:$0x3FBA];
	_ =	sdelay $0x3  }
0x34: {  	[smem:$0x3FBA] =	sst s10  }
0x35: {  	s10 =	sld [smem:$0x3FB9];
	_ =	sdelay $0x3  }
0x36: {  	p1 =	seq.s32 s10, $0x1;
	s10 =	sld [smem:$0x3FBA];
	_ =	sdelay $0x3  }
0x37: {  	[smem:$0x3FBA] =	sst s10  }
0x38: {  	s10 =	sld [smem:$0x3FBB]  }
0x39: {  	_ = 	snop;
	(pc) =	sbr.ind lr, $3  }
0x3a: {  	_ = 	snop  }
0x3b: {  	_ = 	snop  }
0x3c: {  	p2 =	seq.s32 s10, $0x1;
	s10 =	sld [smem:$0x3FBA]  }
0x3d: {  	_ =	shalt  }
0x3e: {  	_ =	shalt  }
0x3f: {  	_ =	shalt  }
0x40: {  	_ =	shalt  }
0x41: {  	_ =	shalt  }
0x42: {  	_ =	shalt  }
0x43: {  	_ =	shalt  }
0x44: {  	_ =	shalt  }
0x45: {  	_ =	shalt  }
0x46: {  	_ =	shalt  }
0x47: {  	_ =	shalt  }
0x48: {  	_ =	shalt  }
0x49: {  	_ =	shalt  }
0x4a: {  	_ =	shalt  }
0x4b: {  	_ =	shalt  }
0x4c: {  	_ =	shalt  }
0x4d: {  	_ =	shalt  }
0x4e: {  	_ =	shalt  }
0x4f: {  	_ =	shalt  }
0x50: {  	_ =	shalt  }
0x51: {  	_ =	shalt  }
0x52: {  	_ =	shalt  }
0x53: {  	_ =	shalt  }
0x54: {  	_ =	shalt  }
0x55: {  	_ =	shalt  }
0x56: {  	_ =	shalt  }
0x57: {  	_ =	shalt  }
0x58: {  	_ =	shalt  }
0x59: {  	_ =	shalt  }
0x5a: {  	_ =	shalt  }
0x5b: {  	_ =	shalt  }
0x5c: {  	_ =	shalt  }
0x5d: {  	_ =	shalt  }
0x5e: {  	_ =	shalt  }
0x5f: {  	_ =	shalt  }
0x60: {  	_ =	shalt  }
0x61: {  	_ =	shalt  }
0x62: {  	_ =	shalt  }
0x63: {  	_ =	shalt  }
0x64: {  	_ =	shalt  }
0x65: {  	_ =	shalt  }
0x66: {  	_ =	shalt  }
0x67: {  	_ =	shalt  }
0x68: {  	_ =	shalt  }
0x69: {  	_ =	shalt  }
0x6a: {  	_ =	shalt  }
0x6b: {  	_ =	shalt  }
0x6c: {  	_ =	shalt  }
0x6d: {  	_ =	shalt  }
0x6e: {  	_ =	shalt  }
0x6f: {  	_ =	shalt  }
0x70: {  	_ =	shalt  }
0x71: {  	_ =	shalt  }
0x72: {  	_ =	shalt  }
0x73: {  	_ =	shalt  }
0x74: {  	_ =	shalt  }
0x75: {  	_ =	shalt  }
0x76: {  	_ =	shalt  }
0x77: {  	_ =	shalt  }
0x78: {  	_ =	shalt  }
0x79: {  	_ =	shalt  }
0x7a: {  	_ =	shalt  }
0x7b: {  	_ =	shalt  }
0x7c: {  	_ =	shalt  }
0x7d: {  	_ =	shalt  }
0x7e: {  	_ =	shalt  }
0x7f: {  	_ =	shalt  }
0x80: {  	_ =	shalt  }
0x81: {  	_ =	shalt  }
0x82: {  	_ =	shalt  }
0x83: {  	_ =	shalt  }
0x84: {  	_ =	shalt  }
0x85: {  	_ =	shalt  }
0x86: {  	_ =	shalt  }
0x87: {  	_ =	shalt  }
.Lfunc_end0:
.L_simem_size_0:
called_computation.1_lowered:
.L_overlay_start_0:
0x88: {  	s2 =	sld [smem:$0x3FD9]  }
0x89: {  	s3 =	sld [smem:$0x3FFE];
	_ =	sdelay $0x1  }
0x8a: {  	s1 =	srdreg.scid  }
0x8b: {  	s0 =	sand.u32 $0x1, s1  }
0x8c: {  	s17 =	sshll.u32 s0, $0xA;
	s2 =	sadd.s32 s3, s2  }
0x8d: {  	s2 =	sadd.s32 s2, s17  }
0x8e: {  	[smem:$0x3FC6] =	sst s2  }
0x8f: {  	_ = 	snop  }
0x90: {  	s2 =	sld [smem:$0x3FD0];
	(tm) =	ssettm $0x1  }
0x91: {  	s18 =	sld [smem:$0x3FFB];
	_ =	sdelay $0x3  }
0x92: {  	_ =	strace s18  }
0x93: {  	s3 =	sld [smem:$0x3FFC];
	_ =	sdelay $0x3  }
0x94: {  	_ =	strace s3  }
0x95: {  	s3 =	sld [smem:$0x3FFD];
	_ =	sdelay $0x3  }
0x96: {  	_ =	strace s3  }
0x97: {  	_ =	strace $0x8FFFFFFF  }
0x98: {  	s19 =	sld [smem:$0x3FDB];
	_ =	sdelay $0x1  }
0x99: {  	s4 =	simm.s32 $_scs_section_size  }
0x9a: {  	s5 =	simm.s32 $_size__tile_overlayer_lowered;
	s6 =	simm.s32 $_tile_overlayer_lowered  }
0x9b: {  	s22 =	simm.s32 $0x1BFF;
	s21 =	sshll.u32 s6, $0x1;
	s3 =	sadd.s32 s4, s19  }
0x9c: {  	s7 =	simm.s32 $0x0;
	s20 =	sshll.u32 s5, $0x1;
	s5 =	sadd.s32 s21, s3  }
0x9d: {  	[timem:s7], [sflag:s22] =	dma.local [hbm:s5], s20  }
0x9e: {  	_ =	swait.ge [sflag:s22], s20  }
0x9f: {  	s4 =	ssub.s32 $0x0, s20;
	[sflag:s22] =	ssyncset.done $0x0  }
0xa0: {  	[sflag:s22] =	ssyncadd.s32 s4;
	_ =	sdelay $0x1  }
0xa1: {  	s23 =	simm.s32 $0x1B8B  }
0xa2: {  	_ =	swait.ge [sflag:s23], $0x1  }
0xa3: {  	[sflag:s23] =	ssyncset.done $0x0  }
0xa4: {  	s25 =	simm.s32 $0x1B8E;
	s24 =	sld [smem:$0x3FFE];
	[sflag:s23] =	ssyncadd.s32 $0xFFFFFFFF  }
0xa5: {  	s26 =	simm.s32 $execute0_lowered;
	[smem:$0x3FD2] =	sst s25  }
0xa6: {  	s5 =	sshll.u32 s26, $0x1;
	_ =	strace $0x80000046;
	[dreg:$0x1] =	wrdreg $0xFFFFFFFF  }
0xa7: {  	s28 =	simm.s32 $_size_execute0_lowered;
	s3 =	sadd.s32 s3, s5;
	[dreg:$0x0] =	wrdreg $0x0  }
0xa8: {  	s5 =	sshll.u32 s28, $0x1;
	[dreg:$0x2] =	wrdreg s3  }
0xa9: {  	[dreg:$0x3] =	wrdreg s5  }
0xaa: {  	[dreg:$0x4] =	wrdreg $0xC0  }
0xab: {  	_ =	task [dreg:s7], $0x5FFFF  }
0xac: {  	[dreg:$0x1] =	wrdreg $0xFFFFFFFF  }
0xad: {  	[dreg:$0x0] =	wrdreg $0x60  }
0xae: {  	[dreg:$0x2] =	wrdreg s24  }
0xaf: {  	[dreg:$0x3] =	wrdreg s2  }
0xb0: {  	[dreg:$0x4] =	wrdreg $0x9  }
0xb1: {  	_ =	task.clear_ibuf [dreg:s7], $0x5FFFF;
	_ =	strace $0x90000046  }
0xb2: {  	s29 =	simm.s32 $0x9;
	_ =	strace $0x80000048  }
0xb3: {  	_ =	swait.ge [sflag:s29], $0x1  }
0xb4: {  	[sflag:s29] =	ssyncadd.s32 $0xFFFFFFFF  }
0xb5: {  	_ =	strace $0x90000048  }
0xb6: {  	_ =	sfence  }
0xb7: {  	s30 =	sld [smem:$0x0];
	_ =	sdelay $0x2  }
0xb8: {  	s31 =	sshll.u32 s1, $0xD;
	s1 =	sshrl.u32 s1, $0x2  }
0xb9: {  	s3 =	sand.u32 $0x4000, s31;
	s1 =	sadd.s32 s1, s30  }
0xba: {  	s0 =	sor.u32 s3, s0;
	s1 =	sshll.u32 s1, $0x11  }
0xbb: {  	s0 =	sor.u32 s1, s0  }
0xbc: {  	s0 =	sadd.s32 $0x8F2B, s0  }
0xbd: {  	[sflag:s0] =	ssyncadd.remote.s32 $0x1  }
0xbe: {  	_ =	sfence.sel $0xFFFF  }
0xbf: {  	[dreg:$0x0] =	wrdreg $0xFFFFFFFF;
	(pc) =	sbr.abs _section_cstart, $3  }
0xc0: {  	[dreg:$0x1] =	wrdreg $0xFFFFFFFF  }
0xc1: {  	_ =	task.clear_ibuf [dreg:s7], $0x2FFFF;
	_ =	strace $0x9FFFFFFF  }
0xc2: {  	(tm) =	ssettm $0x7FFFFFFF  }
0xc3: {  	_ =	shalt  }
tec
execute0_lowered:
.L_overlay_start_1:
0x0: {  	(tag) =	ssettag $0x1  }
0x1: {  	s1 =	rddreg [dreg:$0x0];
	s3 =	srdreg.scid  }
0x2: {  	s0 =	stileid.u32;
	s2 =	rddreg [dreg:$0x1]  }
0x3: {  	s17 =	simm.s32 $0x190;
	s18 =	simm.s32 $0x1;
	s19 =	simm.s32 $0x320  }
0x4: {  	s20 =	simm.s32 $0x6720;
	s21 =	simm.s32 $0x2;
	s22 =	simm.s32 $0xCB20  }
0x5: {  	s23 =	simm.s32 $0x12F20;
	s24 =	simm.s32 $0x3;
	s25 =	simm.s32 $0x0  }
0x6: {  	s6 =	sand.u32 $0x1, s3;
	s4 =	sshll.u32 s0, $0x1;
	s3 =	simm.s32 $0x0  }
0x7: {  	s5 =	sadd.s32 $0xA00, s1;
	s8 =	sor.u32 s6, s4;
	[smem:$0x7FF] =	sst s3  }
0x8: {  	s9 =	ssub.s32 $0x2, s6;
	s6 =	sadd.s32 $0xF42E00, s1;
	s4 =	smul.u32 $0x6400, s8  }
0x9: {  	_ =	strace $0x80000047;
	s31 =	sshrl.u32 s9, $0x1;
	s12 =	smul.u32 $0x32000, s8  }
0xa: {  	s1 =	ssub.s32 s9, s31;
	s7 =	sor.u32 $0x190, s4;
	s10 =	sshrl.u32 s4, $0x3  }
0xb: {  	s15 =	sor.u32 $0x320, s4;
	s16 =	smax.u32 s1, $0x1;
	s11 =	sshrl.u32 s7, $0x3  }
0xc: {  	s8 =	sadd.s32 s5, s10;
	s9 =	sadd.s32 s5, s11;
	s11 =	sadd.s32 $0x4B0, s4  }
0xd: {  	s10 =	sadd.s32 s2, s12;
	s13 =	sshll.u32 s7, $0x3;
	s14 =	sshrl.u32 s11, $0x3  }
0xe: {  	s12 =	sadd.s32 $0x64, s8;
	s13 =	sadd.s32 s2, s13;
	s14 =	sadd.s32 s5, s14  }
.LBB2_1:
0xf: {  	[tilespmem:s3], [sflag:$0x1] =	stream.linear.gather [hbm4b:s8+s3], $0x190, $0x38;
	[tilespmem:$0x19320] =	vst v63  }
0x10: {  	_ = 	snop  }
0x11: {  	[tilespmem:s17], [sflag:$0x1] =	stream.linear.gather [hbm4b:s9+s3], $0x190, $0x38;
	[tilespmem:$0x19320] =	vst v63  }
0x12: {  	_ =	swait.ge [sflag:s18], $0x190  }
0x13: {  	[sflag:s18] =	ssyncset.done $0x0  }
0x14: {  	[sflag:s18] =	ssyncadd.s32 $0xFFFFFE70  }
0x15: {  	[tilespmem:s19], [sflag:$0x2] =	stream.indirect.gather [hbm4b:s6+s17], $0x40, s3, s17, $0xb8;
	[tilespmem:$0x19320] =	vst v63  }
0x16: {  	_ =	swait.ge [sflag:s18], $0x190  }
0x17: {  	[sflag:s18] =	ssyncset.done $0x0  }
0x18: {  	[sflag:s18] =	ssyncadd.s32 $0xFFFFFE70  }
0x19: {  	[tilespmem:s20], [sflag:$0x2] =	stream.indirect.gather [hbm4b:s6+s17], $0x40, s17, s17, $0xb8;
	[tilespmem:$0x19320] =	vst v63  }
0x1a: {  	_ =	swait.ge [sflag:s21], $0x6400  }
0x1b: {  	[sflag:s21] =	ssyncset.done $0x0  }
0x1c: {  	s1 =	simm.s32 $0x420;
	[sflag:s21] =	ssyncadd.s32 $0xFFFF9C00  }
0x1d: {  	v0 =	vld [tilespmem:s1+$0xC0]  }
0x1e: {  	v1 =	vld [tilespmem:s1+$0xFFFFFF40]  }
0x1f: {  	v2 =	vld [tilespmem:s1+$0xFFFFFF80]  }
0x20: {  	v3 =	vld [tilespmem:s1+$0xFFFFFFC0]  }
0x21: {  	v4 =	vld [tilespmem:s1+$0x0]  }
0x22: {  	v5 =	vld [tilespmem:s1+$0x40];
	v0 =	vmul.f32 $8.000000000e+00, v0  }
0x23: {  	s26 =	simm.s32 $0xCC20;
	v6 =	vld [tilespmem:s1+$0x80];
	v1 =	vmul.f32 $8.000000000e+00, v1  }
0x24: {  	v7 =	vld [tilespmem:s1+$0xFFFFFF00];
	v2 =	vmul.f32 $8.000000000e+00, v2;
	[tilespmem:s26+$0xC0] =	vst v0  }
0x25: {  	[tilespmem:s26+$0xFFFFFF40] =	vst v1;
	v0 =	vmul.f32 $8.000000000e+00, v3;
	v1 =	vld [tilespmem:s1+$0xD0]  }
0x26: {  	[tilespmem:s26+$0xFFFFFF80] =	vst v2;
	v2 =	vmul.f32 $8.000000000e+00, v4;
	v3 =	vld [tilespmem:s1+$0xFFFFFF50]  }
0x27: {  	v4 =	vld [tilespmem:s1+$0xFFFFFF90];
	[tilespmem:s26+$0xFFFFFFC0] =	vst v0;
	v0 =	vmul.f32 $8.000000000e+00, v5  }
0x28: {  	[tilespmem:s26+$0x0] =	vst v2;
	v2 =	vmul.f32 $8.000000000e+00, v6;
	v5 =	vld [tilespmem:s1+$0xFFFFFFD0]  }
0x29: {  	v6 =	vmul.f32 $8.000000000e+00, v7;
	v7 =	vld [tilespmem:s1+$0x10];
	[tilespmem:s26+$0x40] =	vst v0  }
0x2a: {  	[tilespmem:s26+$0x80] =	vst v2;
	v0 =	vld [tilespmem:s1+$0x50];
	v1 =	vmul.f32 $8.000000000e+00, v1  }
0x2b: {  	[tilespmem:s26+$0xFFFFFF00] =	vst v6;
	v2 =	vmul.f32 $8.000000000e+00, v3;
	v3 =	vld [tilespmem:s1+$0x90]  }
0x2c: {  	v6 =	vld [tilespmem:s1+$0xFFFFFF10];
	v4 =	vmul.f32 $8.000000000e+00, v4;
	[tilespmem:s26+$0xD0] =	vst v1  }
0x2d: {  	[tilespmem:s26+$0xFFFFFF50] =	vst v2;
	v1 =	vmul.f32 $8.000000000e+00, v5;
	v2 =	vld [tilespmem:s1+$0xE0]  }
0x2e: {  	[tilespmem:s26+$0xFFFFFF90] =	vst v4;
	v4 =	vmul.f32 $8.000000000e+00, v7;
	v5 =	vld [tilespmem:s1+$0xFFFFFF60]  }
0x2f: {  	v7 =	vld [tilespmem:s1+$0xFFFFFFA0];
	[tilespmem:s26+$0xFFFFFFD0] =	vst v1;
	v0 =	vmul.f32 $8.000000000e+00, v0  }
0x30: {  	[tilespmem:s26+$0x10] =	vst v4;
	v1 =	vld [tilespmem:s1+$0xFFFFFFE0];
	v3 =	vmul.f32 $8.000000000e+00, v3  }
0x31: {  	v4 =	vmul.f32 $8.000000000e+00, v6;
	v6 =	vld [tilespmem:s1+$0x20];
	[tilespmem:s26+$0x50] =	vst v0  }
0x32: {  	v0 =	vld [tilespmem:s1+$0x60];
	[tilespmem:s26+$0x90] =	vst v3;
	v2 =	vmul.f32 $8.000000000e+00, v2  }
0x33: {  	[tilespmem:s26+$0xFFFFFF10] =	vst v4;
	v3 =	vmul.f32 $8.000000000e+00, v5;
	v4 =	vld [tilespmem:s1+$0xA0]  }
0x34: {  	v5 =	vld [tilespmem:s1+$0xFFFFFF20];
	v7 =	vmul.f32 $8.000000000e+00, v7;
	[tilespmem:s26+$0xE0] =	vst v2  }
0x35: {  	[tilespmem:s26+$0xFFFFFF60] =	vst v3;
	v1 =	vmul.f32 $8.000000000e+00, v1;
	v3 =	vld [tilespmem:s1+$0xF0]  }
0x36: {  	[tilespmem:s26+$0xFFFFFFA0] =	vst v7;
	v2 =	vmul.f32 $8.000000000e+00, v6;
	v8 =	vld [tilespmem:s1+$0xFFFFFF70]  }
0x37: {  	v7 =	vld [tilespmem:s1+$0xFFFFFFB0];
	[tilespmem:s26+$0xFFFFFFE0] =	vst v1;
	v1 =	vmul.f32 $8.000000000e+00, v0  }
0x38: {  	[tilespmem:s26+$0x20] =	vst v2;
	v0 =	vld [tilespmem:s1+$0xFFFFFFF0];
	v4 =	vmul.f32 $8.000000000e+00, v4  }
0x39: {  	v5 =	vmul.f32 $8.000000000e+00, v5;
	v2 =	vld [tilespmem:s1+$0x30];
	[tilespmem:s26+$0x60] =	vst v1  }
0x3a: {  	v1 =	vld [tilespmem:s1+$0x70];
	[tilespmem:s26+$0xA0] =	vst v4;
	v9 =	vmul.f32 $8.000000000e+00, v3  }
0x3b: {  	[tilespmem:s26+$0xFFFFFF20] =	vst v5;
	v3 =	vld [tilespmem:s1+$0xB0];
	v6 =	vmul.f32 $8.000000000e+00, v8  }
0x3c: {  	s28 =	simm.s32 $0x0;
	s29 =	simm.s32 $0x620;
	v4 =	vld [tilespmem:s1+$0xFFFFFF30];
	v5 =	vmul.f32 $8.000000000e+00, v7;
	[tilespmem:s26+$0xF0] =	vst v9  }
.LBB2_2:
0x3d: {  	v7 =	vld [tilespmem:s29+$0xC0];
	s28 =	sadd.s32 $0x8, s28;
	[tilespmem:s26+$0xFFFFFF70] =	vst v6;
	v0 =	vmul.f32 $8.000000000e+00, v0  }
0x3e: {  	v6 =	vld [tilespmem:s29+$0xFFFFFF40];
	p0 =	slt.u32 s28, $0x188;
	[tilespmem:s26+$0xFFFFFFB0] =	vst v5;
	v2 =	vmul.f32 $8.000000000e+00, v2  }
0x3f: {  	v5 =	vld [tilespmem:s29+$0xFFFFFF80];
	[tilespmem:s26+$0xFFFFFFF0] =	vst v0;
	v0 =	vmul.f32 $8.000000000e+00, v1  }
0x40: {  	v1 =	vld [tilespmem:s29+$0xFFFFFFC0];
	[tilespmem:s26+$0x30] =	vst v2;
	v2 =	vmul.f32 $8.000000000e+00, v3  }
0x41: {  	v3 =	vld [tilespmem:s29+$0x0];
	v4 =	vmul.f32 $8.000000000e+00, v4;
	[tilespmem:s26+$0x70] =	vst v0  }
0x42: {  	v0 =	vld [tilespmem:s29+$0x40];
	v7 =	vmul.f32 $8.000000000e+00, v7;
	[tilespmem:s26+$0xB0] =	vst v2  }
0x43: {  	v2 =	vmul.f32 $8.000000000e+00, v6;
	v6 =	vld [tilespmem:s29+$0x80];
	[tilespmem:s26+$0xFFFFFF30] =	vst v4;
	s26 =	sadd.s32 $0x200, s26  }
0x44: {  	v4 =	vld [tilespmem:s29+$0xFFFFFF00];
	v5 =	vmul.f32 $8.000000000e+00, v5;
	[tilespmem:s26+$0xC0] =	vst v7  }
0x45: {  	[tilespmem:s26+$0xFFFFFF40] =	vst v2;
	v1 =	vmul.f32 $8.000000000e+00, v1;
	v2 =	vld [tilespmem:s29+$0xD0]  }
0x46: {  	v7 =	vld [tilespmem:s29+$0xFFFFFF50];
	[tilespmem:s26+$0xFFFFFF80] =	vst v5;
	v3 =	vmul.f32 $8.000000000e+00, v3  }
0x47: {  	v5 =	vld [tilespmem:s29+$0xFFFFFF90];
	[tilespmem:s26+$0xFFFFFFC0] =	vst v1;
	v0 =	vmul.f32 $8.000000000e+00, v0  }
0x48: {  	v1 =	vld [tilespmem:s29+$0xFFFFFFD0];
	[tilespmem:s26+$0x0] =	vst v3;
	v3 =	vmul.f32 $8.000000000e+00, v6  }
0x49: {  	v4 =	vmul.f32 $8.000000000e+00, v4;
	v6 =	vld [tilespmem:s29+$0x10];
	[tilespmem:s26+$0x40] =	vst v0  }
0x4a: {  	v0 =	vld [tilespmem:s29+$0x50];
	[tilespmem:s26+$0x80] =	vst v3;
	v2 =	vmul.f32 $8.000000000e+00, v2  }
0x4b: {  	[tilespmem:s26+$0xFFFFFF00] =	vst v4;
	v3 =	vmul.f32 $8.000000000e+00, v7;
	v4 =	vld [tilespmem:s29+$0x90]  }
0x4c: {  	v7 =	vld [tilespmem:s29+$0xFFFFFF10];
	v5 =	vmul.f32 $8.000000000e+00, v5;
	[tilespmem:s26+$0xD0] =	vst v2  }
0x4d: {  	[tilespmem:s26+$0xFFFFFF50] =	vst v3;
	v1 =	vmul.f32 $8.000000000e+00, v1;
	v2 =	vld [tilespmem:s29+$0xE0]  }
0x4e: {  	v3 =	vld [tilespmem:s29+$0xFFFFFF60];
	[tilespmem:s26+$0xFFFFFF90] =	vst v5;
	v5 =	vmul.f32 $8.000000000e+00, v6  }
0x4f: {  	v6 =	vld [tilespmem:s29+$0xFFFFFFA0];
	[tilespmem:s26+$0xFFFFFFD0] =	vst v1;
	v0 =	vmul.f32 $8.000000000e+00, v0  }
0x50: {  	v1 =	vld [tilespmem:s29+$0xFFFFFFE0];
	[tilespmem:s26+$0x10] =	vst v5;
	v4 =	vmul.f32 $8.000000000e+00, v4  }
0x51: {  	v5 =	vmul.f32 $8.000000000e+00, v7;
	v7 =	vld [tilespmem:s29+$0x20];
	[tilespmem:s26+$0x50] =	vst v0  }
0x52: {  	v0 =	vld [tilespmem:s29+$0x60];
	[tilespmem:s26+$0x90] =	vst v4;
	v2 =	vmul.f32 $8.000000000e+00, v2  }
0x53: {  	[tilespmem:s26+$0xFFFFFF10] =	vst v5;
	v3 =	vmul.f32 $8.000000000e+00, v3;
	v4 =	vld [tilespmem:s29+$0xA0]  }
0x54: {  	v5 =	vld [tilespmem:s29+$0xFFFFFF20];
	v6 =	vmul.f32 $8.000000000e+00, v6;
	[tilespmem:s26+$0xE0] =	vst v2  }
0x55: {  	[tilespmem:s26+$0xFFFFFF60] =	vst v3;
	v1 =	vmul.f32 $8.000000000e+00, v1;
	v3 =	vld [tilespmem:s29+$0xF0]  }
0x56: {  	v8 =	vld [tilespmem:s29+$0xFFFFFF70];
	[tilespmem:s26+$0xFFFFFFA0] =	vst v6;
	v2 =	vmul.f32 $8.000000000e+00, v7  }
0x57: {  	v7 =	vld [tilespmem:s29+$0xFFFFFFB0];
	[tilespmem:s26+$0xFFFFFFE0] =	vst v1;
	v1 =	vmul.f32 $8.000000000e+00, v0  }
.Ltmp0:
0x58: {  	v0 =	vld [tilespmem:s29+$0xFFFFFFF0];
	[tilespmem:s26+$0x20] =	vst v2;
	v4 =	vmul.f32 $8.000000000e+00, v4;
	(pc) =	sbr.rel @p0 .LBB2_2-.Ltmp0, $4  }
0x59: {  	v5 =	vmul.f32 $8.000000000e+00, v5;
	v2 =	vld [tilespmem:s29+$0x30];
	[tilespmem:s26+$0x60] =	vst v1  }
0x5a: {  	v1 =	vld [tilespmem:s29+$0x70];
	[tilespmem:s26+$0xA0] =	vst v4;
	v9 =	vmul.f32 $8.000000000e+00, v3  }
0x5b: {  	[tilespmem:s26+$0xFFFFFF20] =	vst v5;
	v6 =	vmul.f32 $8.000000000e+00, v8;
	v3 =	vld [tilespmem:s29+$0xB0]  }
0x5c: {  	v4 =	vld [tilespmem:s29+$0xFFFFFF30];
	v5 =	vmul.f32 $8.000000000e+00, v7;
	[tilespmem:s26+$0xF0] =	vst v9;
	s29 =	sadd.s32 $0x200, s29  }
0x5d: {  	[tilespmem:s26+$0xFFFFFF70] =	vst v6;
	v0 =	vmul.f32 $8.000000000e+00, v0  }
0x5e: {  	[tilespmem:s26+$0xFFFFFFB0] =	vst v5;
	v2 =	vmul.f32 $8.000000000e+00, v2  }
0x5f: {  	[tilespmem:s26+$0xFFFFFFF0] =	vst v0;
	v0 =	vmul.f32 $8.000000000e+00, v1  }
0x60: {  	[tilespmem:s26+$0x30] =	vst v2;
	v1 =	vmul.f32 $8.000000000e+00, v3  }
0x61: {  	v2 =	vmul.f32 $8.000000000e+00, v4;
	[tilespmem:s26+$0x70] =	vst v0  }
0x62: {  	[tilespmem:s26+$0xB0] =	vst v1  }
0x63: {  	[tilespmem:s26+$0xFFFFFF30] =	vst v2  }
0x64: {  	[hbm4b:s10+s3] =	stream.linear.scatter [tilespmem:s22], [sflag:$0x3], $0x6400, $0x38;
	[tilespmem:$0x19320] =	vst v63  }
0x65: {  	_ = 	snop  }
0x66: {  	[tilespmem:s3], [sflag:$0x1] =	stream.linear.gather [hbm4b:s12+s3], $0x190, $0x38;
	[tilespmem:$0x19320] =	vst v63  }
0x67: {  	_ =	swait.ge [sflag:s21], $0x6400  }
0x68: {  	[sflag:s21] =	ssyncset.done $0x0  }
0x69: {  	s1 =	simm.s32 $0x6820;
	[sflag:s21] =	ssyncadd.s32 $0xFFFF9C00  }
0x6a: {  	v0 =	vld [tilespmem:s1+$0xC0]  }
0x6b: {  	v1 =	vld [tilespmem:s1+$0xFFFFFF40]  }
0x6c: {  	v2 =	vld [tilespmem:s1+$0xFFFFFF80]  }
0x6d: {  	v3 =	vld [tilespmem:s1+$0xFFFFFFC0]  }
0x6e: {  	v4 =	vld [tilespmem:s1+$0x0]  }
0x6f: {  	v5 =	vld [tilespmem:s1+$0x40];
	v0 =	vmul.f32 $8.000000000e+00, v0  }
0x70: {  	s26 =	simm.s32 $0x13020;
	v6 =	vld [tilespmem:s1+$0x80];
	v1 =	vmul.f32 $8.000000000e+00, v1  }
0x71: {  	v7 =	vld [tilespmem:s1+$0xFFFFFF00];
	v2 =	vmul.f32 $8.000000000e+00, v2;
	[tilespmem:s26+$0xC0] =	vst v0  }
0x72: {  	[tilespmem:s26+$0xFFFFFF40] =	vst v1;
	v0 =	vmul.f32 $8.000000000e+00, v3;
	v1 =	vld [tilespmem:s1+$0xD0]  }
0x73: {  	[tilespmem:s26+$0xFFFFFF80] =	vst v2;
	v2 =	vmul.f32 $8.000000000e+00, v4;
	v3 =	vld [tilespmem:s1+$0xFFFFFF50]  }
0x74: {  	v4 =	vld [tilespmem:s1+$0xFFFFFF90];
	[tilespmem:s26+$0xFFFFFFC0] =	vst v0;
	v0 =	vmul.f32 $8.000000000e+00, v5  }
0x75: {  	[tilespmem:s26+$0x0] =	vst v2;
	v2 =	vmul.f32 $8.000000000e+00, v6;
	v5 =	vld [tilespmem:s1+$0xFFFFFFD0]  }
0x76: {  	v6 =	vmul.f32 $8.000000000e+00, v7;
	v7 =	vld [tilespmem:s1+$0x10];
	[tilespmem:s26+$0x40] =	vst v0  }
0x77: {  	[tilespmem:s26+$0x80] =	vst v2;
	v0 =	vld [tilespmem:s1+$0x50];
	v1 =	vmul.f32 $8.000000000e+00, v1  }
0x78: {  	[tilespmem:s26+$0xFFFFFF00] =	vst v6;
	v2 =	vmul.f32 $8.000000000e+00, v3;
	v3 =	vld [tilespmem:s1+$0x90]  }
0x79: {  	v6 =	vld [tilespmem:s1+$0xFFFFFF10];
	v4 =	vmul.f32 $8.000000000e+00, v4;
	[tilespmem:s26+$0xD0] =	vst v1  }
0x7a: {  	[tilespmem:s26+$0xFFFFFF50] =	vst v2;
	v1 =	vmul.f32 $8.000000000e+00, v5;
	v2 =	vld [tilespmem:s1+$0xE0]  }
0x7b: {  	[tilespmem:s26+$0xFFFFFF90] =	vst v4;
	v4 =	vmul.f32 $8.000000000e+00, v7;
	v5 =	vld [tilespmem:s1+$0xFFFFFF60]  }
0x7c: {  	v7 =	vld [tilespmem:s1+$0xFFFFFFA0];
	[tilespmem:s26+$0xFFFFFFD0] =	vst v1;
	v0 =	vmul.f32 $8.000000000e+00, v0  }
0x7d: {  	[tilespmem:s26+$0x10] =	vst v4;
	v1 =	vld [tilespmem:s1+$0xFFFFFFE0];
	v3 =	vmul.f32 $8.000000000e+00, v3  }
0x7e: {  	v4 =	vmul.f32 $8.000000000e+00, v6;
	v6 =	vld [tilespmem:s1+$0x20];
	[tilespmem:s26+$0x50] =	vst v0  }
0x7f: {  	v0 =	vld [tilespmem:s1+$0x60];
	[tilespmem:s26+$0x90] =	vst v3;
	v2 =	vmul.f32 $8.000000000e+00, v2  }
0x80: {  	[tilespmem:s26+$0xFFFFFF10] =	vst v4;
	v3 =	vmul.f32 $8.000000000e+00, v5;
	v4 =	vld [tilespmem:s1+$0xA0]  }
0x81: {  	v5 =	vld [tilespmem:s1+$0xFFFFFF20];
	v7 =	vmul.f32 $8.000000000e+00, v7;
	[tilespmem:s26+$0xE0] =	vst v2  }
0x82: {  	[tilespmem:s26+$0xFFFFFF60] =	vst v3;
	v1 =	vmul.f32 $8.000000000e+00, v1;
	v3 =	vld [tilespmem:s1+$0xF0]  }
0x83: {  	[tilespmem:s26+$0xFFFFFFA0] =	vst v7;
	v2 =	vmul.f32 $8.000000000e+00, v6;
	v8 =	vld [tilespmem:s1+$0xFFFFFF70]  }
0x84: {  	v7 =	vld [tilespmem:s1+$0xFFFFFFB0];
	[tilespmem:s26+$0xFFFFFFE0] =	vst v1;
	v1 =	vmul.f32 $8.000000000e+00, v0  }
0x85: {  	[tilespmem:s26+$0x20] =	vst v2;
	v0 =	vld [tilespmem:s1+$0xFFFFFFF0];
	v4 =	vmul.f32 $8.000000000e+00, v4  }
0x86: {  	v5 =	vmul.f32 $8.000000000e+00, v5;
	v2 =	vld [tilespmem:s1+$0x30];
	[tilespmem:s26+$0x60] =	vst v1  }
0x87: {  	v1 =	vld [tilespmem:s1+$0x70];
	[tilespmem:s26+$0xA0] =	vst v4;
	v9 =	vmul.f32 $8.000000000e+00, v3  }
0x88: {  	[tilespmem:s26+$0xFFFFFF20] =	vst v5;
	v3 =	vld [tilespmem:s1+$0xB0];
	v6 =	vmul.f32 $8.000000000e+00, v8  }
0x89: {  	s28 =	simm.s32 $0x0;
	s29 =	simm.s32 $0x6A20;
	v4 =	vld [tilespmem:s1+$0xFFFFFF30];
	v5 =	vmul.f32 $8.000000000e+00, v7;
	[tilespmem:s26+$0xF0] =	vst v9  }
.LBB2_4:
0x8a: {  	v7 =	vld [tilespmem:s29+$0xC0];
	s28 =	sadd.s32 $0x8, s28;
	[tilespmem:s26+$0xFFFFFF70] =	vst v6;
	v0 =	vmul.f32 $8.000000000e+00, v0  }
0x8b: {  	v6 =	vld [tilespmem:s29+$0xFFFFFF40];
	p0 =	slt.u32 s28, $0x188;
	[tilespmem:s26+$0xFFFFFFB0] =	vst v5;
	v2 =	vmul.f32 $8.000000000e+00, v2  }
0x8c: {  	v5 =	vld [tilespmem:s29+$0xFFFFFF80];
	[tilespmem:s26+$0xFFFFFFF0] =	vst v0;
	v0 =	vmul.f32 $8.000000000e+00, v1  }
0x8d: {  	v1 =	vld [tilespmem:s29+$0xFFFFFFC0];
	[tilespmem:s26+$0x30] =	vst v2;
	v2 =	vmul.f32 $8.000000000e+00, v3  }
0x8e: {  	v3 =	vld [tilespmem:s29+$0x0];
	v4 =	vmul.f32 $8.000000000e+00, v4;
	[tilespmem:s26+$0x70] =	vst v0  }
0x8f: {  	v0 =	vld [tilespmem:s29+$0x40];
	v7 =	vmul.f32 $8.000000000e+00, v7;
	[tilespmem:s26+$0xB0] =	vst v2  }
0x90: {  	v2 =	vmul.f32 $8.000000000e+00, v6;
	v6 =	vld [tilespmem:s29+$0x80];
	[tilespmem:s26+$0xFFFFFF30] =	vst v4;
	s26 =	sadd.s32 $0x200, s26  }
0x91: {  	v4 =	vld [tilespmem:s29+$0xFFFFFF00];
	v5 =	vmul.f32 $8.000000000e+00, v5;
	[tilespmem:s26+$0xC0] =	vst v7  }
0x92: {  	[tilespmem:s26+$0xFFFFFF40] =	vst v2;
	v1 =	vmul.f32 $8.000000000e+00, v1;
	v2 =	vld [tilespmem:s29+$0xD0]  }
0x93: {  	v7 =	vld [tilespmem:s29+$0xFFFFFF50];
	[tilespmem:s26+$0xFFFFFF80] =	vst v5;
	v3 =	vmul.f32 $8.000000000e+00, v3  }
0x94: {  	v5 =	vld [tilespmem:s29+$0xFFFFFF90];
	[tilespmem:s26+$0xFFFFFFC0] =	vst v1;
	v0 =	vmul.f32 $8.000000000e+00, v0  }
0x95: {  	v1 =	vld [tilespmem:s29+$0xFFFFFFD0];
	[tilespmem:s26+$0x0] =	vst v3;
	v3 =	vmul.f32 $8.000000000e+00, v6  }
0x96: {  	v4 =	vmul.f32 $8.000000000e+00, v4;
	v6 =	vld [tilespmem:s29+$0x10];
	[tilespmem:s26+$0x40] =	vst v0  }
0x97: {  	v0 =	vld [tilespmem:s29+$0x50];
	[tilespmem:s26+$0x80] =	vst v3;
	v2 =	vmul.f32 $8.000000000e+00, v2  }
0x98: {  	[tilespmem:s26+$0xFFFFFF00] =	vst v4;
	v3 =	vmul.f32 $8.000000000e+00, v7;
	v4 =	vld [tilespmem:s29+$0x90]  }
0x99: {  	v7 =	vld [tilespmem:s29+$0xFFFFFF10];
	v5 =	vmul.f32 $8.000000000e+00, v5;
	[tilespmem:s26+$0xD0] =	vst v2  }
0x9a: {  	[tilespmem:s26+$0xFFFFFF50] =	vst v3;
	v1 =	vmul.f32 $8.000000000e+00, v1;
	v2 =	vld [tilespmem:s29+$0xE0]  }
0x9b: {  	v3 =	vld [tilespmem:s29+$0xFFFFFF60];
	[tilespmem:s26+$0xFFFFFF90] =	vst v5;
	v5 =	vmul.f32 $8.000000000e+00, v6  }
0x9c: {  	v6 =	vld [tilespmem:s29+$0xFFFFFFA0];
	[tilespmem:s26+$0xFFFFFFD0] =	vst v1;
	v0 =	vmul.f32 $8.000000000e+00, v0  }
0x9d: {  	v1 =	vld [tilespmem:s29+$0xFFFFFFE0];
	[tilespmem:s26+$0x10] =	vst v5;
	v4 =	vmul.f32 $8.000000000e+00, v4  }
0x9e: {  	v5 =	vmul.f32 $8.000000000e+00, v7;
	v7 =	vld [tilespmem:s29+$0x20];
	[tilespmem:s26+$0x50] =	vst v0  }
0x9f: {  	v0 =	vld [tilespmem:s29+$0x60];
	[tilespmem:s26+$0x90] =	vst v4;
	v2 =	vmul.f32 $8.000000000e+00, v2  }
0xa0: {  	[tilespmem:s26+$0xFFFFFF10] =	vst v5;
	v3 =	vmul.f32 $8.000000000e+00, v3;
	v4 =	vld [tilespmem:s29+$0xA0]  }
0xa1: {  	v5 =	vld [tilespmem:s29+$0xFFFFFF20];
	v6 =	vmul.f32 $8.000000000e+00, v6;
	[tilespmem:s26+$0xE0] =	vst v2  }
0xa2: {  	[tilespmem:s26+$0xFFFFFF60] =	vst v3;
	v1 =	vmul.f32 $8.000000000e+00, v1;
	v3 =	vld [tilespmem:s29+$0xF0]  }
0xa3: {  	v8 =	vld [tilespmem:s29+$0xFFFFFF70];
	[tilespmem:s26+$0xFFFFFFA0] =	vst v6;
	v2 =	vmul.f32 $8.000000000e+00, v7  }
0xa4: {  	v7 =	vld [tilespmem:s29+$0xFFFFFFB0];
	[tilespmem:s26+$0xFFFFFFE0] =	vst v1;
	v1 =	vmul.f32 $8.000000000e+00, v0  }
.Ltmp1:
0xa5: {  	v0 =	vld [tilespmem:s29+$0xFFFFFFF0];
	[tilespmem:s26+$0x20] =	vst v2;
	v4 =	vmul.f32 $8.000000000e+00, v4;
	(pc) =	sbr.rel @p0 .LBB2_4-.Ltmp1, $4  }
0xa6: {  	v5 =	vmul.f32 $8.000000000e+00, v5;
	v2 =	vld [tilespmem:s29+$0x30];
	[tilespmem:s26+$0x60] =	vst v1  }
0xa7: {  	v1 =	vld [tilespmem:s29+$0x70];
	[tilespmem:s26+$0xA0] =	vst v4;
	v9 =	vmul.f32 $8.000000000e+00, v3  }
0xa8: {  	[tilespmem:s26+$0xFFFFFF20] =	vst v5;
	v6 =	vmul.f32 $8.000000000e+00, v8;
	v3 =	vld [tilespmem:s29+$0xB0]  }
0xa9: {  	v4 =	vld [tilespmem:s29+$0xFFFFFF30];
	v5 =	vmul.f32 $8.000000000e+00, v7;
	[tilespmem:s26+$0xF0] =	vst v9;
	s29 =	sadd.s32 $0x200, s29  }
0xaa: {  	[tilespmem:s26+$0xFFFFFF70] =	vst v6;
	v0 =	vmul.f32 $8.000000000e+00, v0  }
0xab: {  	[tilespmem:s26+$0xFFFFFFB0] =	vst v5;
	v2 =	vmul.f32 $8.000000000e+00, v2  }
0xac: {  	[tilespmem:s26+$0xFFFFFFF0] =	vst v0;
	v61 =	vmul.f32 $8.000000000e+00, v1  }
0xad: {  	[tilespmem:s26+$0x30] =	vst v2;
	v62 =	vmul.f32 $8.000000000e+00, v3  }
0xae: {  	v63 =	vmul.f32 $8.000000000e+00, v4;
	[tilespmem:s26+$0x70] =	vst v61  }
0xaf: {  	[tilespmem:s26+$0xB0] =	vst v62  }
0xb0: {  	[tilespmem:s26+$0xFFFFFF30] =	vst v63  }
0xb1: {  	[hbm4b:s13+s3] =	stream.linear.scatter [tilespmem:s23], [sflag:$0x3], $0x6400, $0x38;
	[tilespmem:$0x19320] =	vst v63  }
0xb2: {  	s26 =	simm.s32 $0x1  }
0xb3: {  	[tilespmem:s17], [sflag:$0x1] =	stream.linear.gather [hbm4b:s14+s3], $0x190, $0x38;
	[tilespmem:$0x19320] =	vst v63  }
.LBB2_6:
0xb4: {  	_ =	swait.ge [sflag:s18], $0x190  }
0xb5: {  	[sflag:s18] =	ssyncset.done $0x0  }
0xb6: {  	[sflag:s18] =	ssyncadd.s32 $0xFFFFFE70  }
0xb7: {  	[tilespmem:s19], [sflag:$0x2] =	stream.indirect.gather [hbm4b:s6+s17], $0x40, s3, s17, $0xb8;
	[tilespmem:$0x19320] =	vst v63  }
0xb8: {  	_ =	swait.ge [sflag:s18], $0x190  }
0xb9: {  	[sflag:s18] =	ssyncset.done $0x0  }
0xba: {  	[sflag:s18] =	ssyncadd.s32 $0xFFFFFE70  }
0xbb: {  	[tilespmem:s20], [sflag:$0x2] =	stream.indirect.gather [hbm4b:s6+s17], $0x40, s17, s17, $0xb8;
	[tilespmem:$0x19320] =	vst v63  }
0xbc: {  	_ =	swait.ge [sflag:s24], $0x6400  }
0xbd: {  	[sflag:s24] =	ssyncset.done $0x0  }
0xbe: {  	[sflag:s24] =	ssyncadd.s32 $0xFFFF9C00  }
0xbf: {  	_ =	swait.ge [sflag:s21], $0x6400  }
0xc0: {  	[sflag:s21] =	ssyncset.done $0x0  }
0xc1: {  	s1 =	simm.s32 $0x420;
	[sflag:s21] =	ssyncadd.s32 $0xFFFF9C00  }
0xc2: {  	v0 =	vld [tilespmem:s1+$0xC0]  }
0xc3: {  	v1 =	vld [tilespmem:s1+$0xFFFFFF40]  }
0xc4: {  	v2 =	vld [tilespmem:s1+$0xFFFFFF80]  }
0xc5: {  	v3 =	vld [tilespmem:s1+$0xFFFFFFC0]  }
0xc6: {  	v4 =	vld [tilespmem:s1+$0x0]  }
0xc7: {  	v5 =	vld [tilespmem:s1+$0x40];
	v0 =	vmul.f32 $8.000000000e+00, v0  }
0xc8: {  	s30 =	simm.s32 $0xCC20;
	v6 =	vld [tilespmem:s1+$0x80];
	v1 =	vmul.f32 $8.000000000e+00, v1  }
0xc9: {  	v7 =	vld [tilespmem:s1+$0xFFFFFF00];
	v2 =	vmul.f32 $8.000000000e+00, v2;
	[tilespmem:s30+$0xC0] =	vst v0  }
0xca: {  	[tilespmem:s30+$0xFFFFFF40] =	vst v1;
	v0 =	vmul.f32 $8.000000000e+00, v3;
	v1 =	vld [tilespmem:s1+$0xD0]  }
0xcb: {  	[tilespmem:s30+$0xFFFFFF80] =	vst v2;
	v2 =	vmul.f32 $8.000000000e+00, v4;
	v3 =	vld [tilespmem:s1+$0xFFFFFF50]  }
0xcc: {  	v4 =	vld [tilespmem:s1+$0xFFFFFF90];
	[tilespmem:s30+$0xFFFFFFC0] =	vst v0;
	v0 =	vmul.f32 $8.000000000e+00, v5  }
0xcd: {  	[tilespmem:s30+$0x0] =	vst v2;
	v2 =	vmul.f32 $8.000000000e+00, v6;
	v5 =	vld [tilespmem:s1+$0xFFFFFFD0]  }
0xce: {  	v6 =	vmul.f32 $8.000000000e+00, v7;
	v7 =	vld [tilespmem:s1+$0x10];
	[tilespmem:s30+$0x40] =	vst v0  }
0xcf: {  	[tilespmem:s30+$0x80] =	vst v2;
	v0 =	vld [tilespmem:s1+$0x50];
	v1 =	vmul.f32 $8.000000000e+00, v1  }
0xd0: {  	[tilespmem:s30+$0xFFFFFF00] =	vst v6;
	v2 =	vmul.f32 $8.000000000e+00, v3;
	v3 =	vld [tilespmem:s1+$0x90]  }
0xd1: {  	v6 =	vld [tilespmem:s1+$0xFFFFFF10];
	v4 =	vmul.f32 $8.000000000e+00, v4;
	[tilespmem:s30+$0xD0] =	vst v1  }
0xd2: {  	[tilespmem:s30+$0xFFFFFF50] =	vst v2;
	v1 =	vmul.f32 $8.000000000e+00, v5;
	v2 =	vld [tilespmem:s1+$0xE0]  }
0xd3: {  	[tilespmem:s30+$0xFFFFFF90] =	vst v4;
	v4 =	vmul.f32 $8.000000000e+00, v7;
	v5 =	vld [tilespmem:s1+$0xFFFFFF60]  }
0xd4: {  	v7 =	vld [tilespmem:s1+$0xFFFFFFA0];
	[tilespmem:s30+$0xFFFFFFD0] =	vst v1;
	v0 =	vmul.f32 $8.000000000e+00, v0  }
0xd5: {  	[tilespmem:s30+$0x10] =	vst v4;
	v1 =	vld [tilespmem:s1+$0xFFFFFFE0];
	v3 =	vmul.f32 $8.000000000e+00, v3  }
0xd6: {  	v4 =	vmul.f32 $8.000000000e+00, v6;
	v6 =	vld [tilespmem:s1+$0x20];
	[tilespmem:s30+$0x50] =	vst v0  }
0xd7: {  	v0 =	vld [tilespmem:s1+$0x60];
	[tilespmem:s30+$0x90] =	vst v3;
	v2 =	vmul.f32 $8.000000000e+00, v2  }
0xd8: {  	[tilespmem:s30+$0xFFFFFF10] =	vst v4;
	v3 =	vmul.f32 $8.000000000e+00, v5;
	v4 =	vld [tilespmem:s1+$0xA0]  }
0xd9: {  	v5 =	vld [tilespmem:s1+$0xFFFFFF20];
	v7 =	vmul.f32 $8.000000000e+00, v7;
	[tilespmem:s30+$0xE0] =	vst v2  }
0xda: {  	[tilespmem:s30+$0xFFFFFF60] =	vst v3;
	v1 =	vmul.f32 $8.000000000e+00, v1;
	v3 =	vld [tilespmem:s1+$0xF0]  }
0xdb: {  	[tilespmem:s30+$0xFFFFFFA0] =	vst v7;
	v2 =	vmul.f32 $8.000000000e+00, v6;
	v8 =	vld [tilespmem:s1+$0xFFFFFF70]  }
0xdc: {  	s28 =	smul.u32 $0x320, s26;
	v7 =	vld [tilespmem:s1+$0xFFFFFFB0];
	[tilespmem:s30+$0xFFFFFFE0] =	vst v1;
	v6 =	vmul.f32 $8.000000000e+00, v0  }
0xdd: {  	[tilespmem:s30+$0x20] =	vst v2;
	v0 =	vld [tilespmem:s1+$0xFFFFFFF0];
	v4 =	vmul.f32 $8.000000000e+00, v4  }
0xde: {  	s29 =	sadd.s32 s4, s28;
	v5 =	vmul.f32 $8.000000000e+00, v5;
	v1 =	vld [tilespmem:s1+$0x30];
	[tilespmem:s30+$0x60] =	vst v6  }
0xdf: {  	s29 =	sshll.u32 s29, $0x3;
	v2 =	vld [tilespmem:s1+$0x70];
	[tilespmem:s30+$0xA0] =	vst v4;
	v9 =	vmul.f32 $8.000000000e+00, v3  }
0xe0: {  	s29 =	sand.u32 $0x1FFFFF00, s29;
	[tilespmem:s30+$0xFFFFFF20] =	vst v5;
	v3 =	vld [tilespmem:s1+$0xB0];
	v6 =	vmul.f32 $8.000000000e+00, v8  }
0xe1: {  	s31 =	sadd.s32 s2, s29;
	s29 =	simm.s32 $0x0;
	v4 =	vld [tilespmem:s1+$0xFFFFFF30];
	v5 =	vmul.f32 $8.000000000e+00, v7;
	s1 =	simm.s32 $0x620;
	[tilespmem:s30+$0xF0] =	vst v9  }
.LBB2_7:
0xe2: {  	v7 =	vld [tilespmem:s1+$0xC0];
	s29 =	sadd.s32 $0x8, s29;
	[tilespmem:s30+$0xFFFFFF70] =	vst v6;
	v0 =	vmul.f32 $8.000000000e+00, v0  }
0xe3: {  	v6 =	vld [tilespmem:s1+$0xFFFFFF40];
	p0 =	slt.u32 s29, $0x188;
	[tilespmem:s30+$0xFFFFFFB0] =	vst v5;
	v1 =	vmul.f32 $8.000000000e+00, v1  }
0xe4: {  	v5 =	vld [tilespmem:s1+$0xFFFFFF80];
	[tilespmem:s30+$0xFFFFFFF0] =	vst v0;
	v0 =	vmul.f32 $8.000000000e+00, v2  }
0xe5: {  	v2 =	vld [tilespmem:s1+$0xFFFFFFC0];
	[tilespmem:s30+$0x30] =	vst v1;
	v1 =	vmul.f32 $8.000000000e+00, v3  }
0xe6: {  	v3 =	vld [tilespmem:s1+$0x0];
	v4 =	vmul.f32 $8.000000000e+00, v4;
	[tilespmem:s30+$0x70] =	vst v0  }
0xe7: {  	v0 =	vld [tilespmem:s1+$0x40];
	v7 =	vmul.f32 $8.000000000e+00, v7;
	[tilespmem:s30+$0xB0] =	vst v1  }
0xe8: {  	v1 =	vmul.f32 $8.000000000e+00, v6;
	v6 =	vld [tilespmem:s1+$0x80];
	[tilespmem:s30+$0xFFFFFF30] =	vst v4;
	s30 =	sadd.s32 $0x200, s30  }
0xe9: {  	v4 =	vld [tilespmem:s1+$0xFFFFFF00];
	v5 =	vmul.f32 $8.000000000e+00, v5;
	[tilespmem:s30+$0xC0] =	vst v7  }
0xea: {  	[tilespmem:s30+$0xFFFFFF40] =	vst v1;
	v1 =	vmul.f32 $8.000000000e+00, v2;
	v2 =	vld [tilespmem:s1+$0xD0]  }
0xeb: {  	v7 =	vld [tilespmem:s1+$0xFFFFFF50];
	[tilespmem:s30+$0xFFFFFF80] =	vst v5;
	v3 =	vmul.f32 $8.000000000e+00, v3  }
0xec: {  	v5 =	vld [tilespmem:s1+$0xFFFFFF90];
	[tilespmem:s30+$0xFFFFFFC0] =	vst v1;
	v0 =	vmul.f32 $8.000000000e+00, v0  }
0xed: {  	v1 =	vld [tilespmem:s1+$0xFFFFFFD0];
	[tilespmem:s30+$0x0] =	vst v3;
	v3 =	vmul.f32 $8.000000000e+00, v6  }
0xee: {  	v4 =	vmul.f32 $8.000000000e+00, v4;
	v6 =	vld [tilespmem:s1+$0x10];
	[tilespmem:s30+$0x40] =	vst v0  }
0xef: {  	v0 =	vld [tilespmem:s1+$0x50];
	[tilespmem:s30+$0x80] =	vst v3;
	v2 =	vmul.f32 $8.000000000e+00, v2  }
0xf0: {  	[tilespmem:s30+$0xFFFFFF00] =	vst v4;
	v3 =	vmul.f32 $8.000000000e+00, v7;
	v4 =	vld [tilespmem:s1+$0x90]  }
0xf1: {  	v7 =	vld [tilespmem:s1+$0xFFFFFF10];
	v5 =	vmul.f32 $8.000000000e+00, v5;
	[tilespmem:s30+$0xD0] =	vst v2  }
0xf2: {  	[tilespmem:s30+$0xFFFFFF50] =	vst v3;
	v1 =	vmul.f32 $8.000000000e+00, v1;
	v2 =	vld [tilespmem:s1+$0xE0]  }
0xf3: {  	v3 =	vld [tilespmem:s1+$0xFFFFFF60];
	[tilespmem:s30+$0xFFFFFF90] =	vst v5;
	v5 =	vmul.f32 $8.000000000e+00, v6  }
0xf4: {  	v6 =	vld [tilespmem:s1+$0xFFFFFFA0];
	[tilespmem:s30+$0xFFFFFFD0] =	vst v1;
	v0 =	vmul.f32 $8.000000000e+00, v0  }
0xf5: {  	v1 =	vld [tilespmem:s1+$0xFFFFFFE0];
	[tilespmem:s30+$0x10] =	vst v5;
	v4 =	vmul.f32 $8.000000000e+00, v4  }
0xf6: {  	v5 =	vmul.f32 $8.000000000e+00, v7;
	v7 =	vld [tilespmem:s1+$0x20];
	[tilespmem:s30+$0x50] =	vst v0  }
0xf7: {  	v0 =	vld [tilespmem:s1+$0x60];
	[tilespmem:s30+$0x90] =	vst v4;
	v2 =	vmul.f32 $8.000000000e+00, v2  }
0xf8: {  	[tilespmem:s30+$0xFFFFFF10] =	vst v5;
	v3 =	vmul.f32 $8.000000000e+00, v3;
	v4 =	vld [tilespmem:s1+$0xA0]  }
0xf9: {  	v5 =	vld [tilespmem:s1+$0xFFFFFF20];
	v6 =	vmul.f32 $8.000000000e+00, v6;
	[tilespmem:s30+$0xE0] =	vst v2  }
0xfa: {  	[tilespmem:s30+$0xFFFFFF60] =	vst v3;
	v1 =	vmul.f32 $8.000000000e+00, v1;
	v3 =	vld [tilespmem:s1+$0xF0]  }
0xfb: {  	v8 =	vld [tilespmem:s1+$0xFFFFFF70];
	[tilespmem:s30+$0xFFFFFFA0] =	vst v6;
	v2 =	vmul.f32 $8.000000000e+00, v7  }
0xfc: {  	v7 =	vld [tilespmem:s1+$0xFFFFFFB0];
	[tilespmem:s30+$0xFFFFFFE0] =	vst v1;
	v6 =	vmul.f32 $8.000000000e+00, v0  }
.Ltmp2:
0xfd: {  	v0 =	vld [tilespmem:s1+$0xFFFFFFF0];
	[tilespmem:s30+$0x20] =	vst v2;
	v4 =	vmul.f32 $8.000000000e+00, v4;
	(pc) =	sbr.rel @p0 .LBB2_7-.Ltmp2, $4  }
0xfe: {  	v5 =	vmul.f32 $8.000000000e+00, v5;
	v1 =	vld [tilespmem:s1+$0x30];
	[tilespmem:s30+$0x60] =	vst v6  }
0xff: {  	v2 =	vld [tilespmem:s1+$0x70];
	[tilespmem:s30+$0xA0] =	vst v4;
	v9 =	vmul.f32 $8.000000000e+00, v3  }
0x100: {  	[tilespmem:s30+$0xFFFFFF20] =	vst v5;
	v6 =	vmul.f32 $8.000000000e+00, v8;
	v3 =	vld [tilespmem:s1+$0xB0]  }
0x101: {  	v4 =	vld [tilespmem:s1+$0xFFFFFF30];
	v5 =	vmul.f32 $8.000000000e+00, v7;
	[tilespmem:s30+$0xF0] =	vst v9;
	s1 =	sadd.s32 $0x200, s1  }
0x102: {  	[tilespmem:s30+$0xFFFFFF70] =	vst v6;
	v0 =	vmul.f32 $8.000000000e+00, v0  }
0x103: {  	s29 =	sshll.u32 s26, $0x1;
	[tilespmem:s30+$0xFFFFFFB0] =	vst v5;
	v1 =	vmul.f32 $8.000000000e+00, v1  }
0x104: {  	s1 =	smin.u32 s29, $0x3D;
	[tilespmem:s30+$0xFFFFFFF0] =	vst v0;
	v0 =	vmul.f32 $8.000000000e+00, v2  }
0x105: {  	s1 =	smul.u32 $0x190, s1;
	[tilespmem:s30+$0x30] =	vst v1;
	v1 =	vmul.f32 $8.000000000e+00, v3  }
0x106: {  	v2 =	vmul.f32 $8.000000000e+00, v4;
	[tilespmem:s30+$0x70] =	vst v0  }
0x107: {  	s1 =	sadd.s32 s1, s15;
	[tilespmem:s30+$0xB0] =	vst v1  }
0x108: {  	s1 =	sshrl.u32 s1, $0x3;
	[tilespmem:s30+$0xFFFFFF30] =	vst v2  }
0x109: {  	[hbm4b:s31+s3] =	stream.linear.scatter [tilespmem:s22], [sflag:$0x3], $0x6400, $0x38;
	[tilespmem:$0x19320] =	vst v63  }
0x10a: {  	s1 =	sadd.s32 s5, s1  }
0x10b: {  	[tilespmem:s3], [sflag:$0x1] =	stream.linear.gather [hbm4b:s1+s3], $0x190, $0x38;
	[tilespmem:$0x19320] =	vst v63  }
0x10c: {  	_ =	swait.ge [sflag:s24], $0x6400  }
0x10d: {  	[sflag:s24] =	ssyncset.done $0x0  }
0x10e: {  	[sflag:s24] =	ssyncadd.s32 $0xFFFF9C00  }
0x10f: {  	_ =	swait.ge [sflag:s21], $0x6400  }
0x110: {  	[sflag:s21] =	ssyncset.done $0x0  }
0x111: {  	s1 =	simm.s32 $0x6820;
	[sflag:s21] =	ssyncadd.s32 $0xFFFF9C00  }
0x112: {  	v0 =	vld [tilespmem:s1+$0xC0]  }
0x113: {  	v1 =	vld [tilespmem:s1+$0xFFFFFF40]  }
0x114: {  	v2 =	vld [tilespmem:s1+$0xFFFFFF80]  }
0x115: {  	v3 =	vld [tilespmem:s1+$0xFFFFFFC0]  }
0x116: {  	v4 =	vld [tilespmem:s1+$0x0]  }
0x117: {  	v5 =	vld [tilespmem:s1+$0x40];
	v0 =	vmul.f32 $8.000000000e+00, v0  }
0x118: {  	s30 =	simm.s32 $0x13020;
	v6 =	vld [tilespmem:s1+$0x80];
	v1 =	vmul.f32 $8.000000000e+00, v1  }
0x119: {  	v7 =	vld [tilespmem:s1+$0xFFFFFF00];
	v2 =	vmul.f32 $8.000000000e+00, v2;
	[tilespmem:s30+$0xC0] =	vst v0  }
0x11a: {  	[tilespmem:s30+$0xFFFFFF40] =	vst v1;
	v0 =	vmul.f32 $8.000000000e+00, v3;
	v1 =	vld [tilespmem:s1+$0xD0]  }
0x11b: {  	[tilespmem:s30+$0xFFFFFF80] =	vst v2;
	v2 =	vmul.f32 $8.000000000e+00, v4;
	v3 =	vld [tilespmem:s1+$0xFFFFFF50]  }
0x11c: {  	v4 =	vld [tilespmem:s1+$0xFFFFFF90];
	[tilespmem:s30+$0xFFFFFFC0] =	vst v0;
	v0 =	vmul.f32 $8.000000000e+00, v5  }
0x11d: {  	[tilespmem:s30+$0x0] =	vst v2;
	v2 =	vmul.f32 $8.000000000e+00, v6;
	v5 =	vld [tilespmem:s1+$0xFFFFFFD0]  }
0x11e: {  	v6 =	vmul.f32 $8.000000000e+00, v7;
	v7 =	vld [tilespmem:s1+$0x10];
	[tilespmem:s30+$0x40] =	vst v0  }
0x11f: {  	[tilespmem:s30+$0x80] =	vst v2;
	v0 =	vld [tilespmem:s1+$0x50];
	v1 =	vmul.f32 $8.000000000e+00, v1  }
0x120: {  	[tilespmem:s30+$0xFFFFFF00] =	vst v6;
	v2 =	vmul.f32 $8.000000000e+00, v3;
	v3 =	vld [tilespmem:s1+$0x90]  }
0x121: {  	v6 =	vld [tilespmem:s1+$0xFFFFFF10];
	v4 =	vmul.f32 $8.000000000e+00, v4;
	[tilespmem:s30+$0xD0] =	vst v1  }
0x122: {  	[tilespmem:s30+$0xFFFFFF50] =	vst v2;
	v1 =	vmul.f32 $8.000000000e+00, v5;
	v2 =	vld [tilespmem:s1+$0xE0]  }
0x123: {  	[tilespmem:s30+$0xFFFFFF90] =	vst v4;
	v4 =	vmul.f32 $8.000000000e+00, v7;
	v5 =	vld [tilespmem:s1+$0xFFFFFF60]  }
0x124: {  	v7 =	vld [tilespmem:s1+$0xFFFFFFA0];
	[tilespmem:s30+$0xFFFFFFD0] =	vst v1;
	v0 =	vmul.f32 $8.000000000e+00, v0  }
0x125: {  	[tilespmem:s30+$0x10] =	vst v4;
	v1 =	vld [tilespmem:s1+$0xFFFFFFE0];
	v3 =	vmul.f32 $8.000000000e+00, v3  }
0x126: {  	v4 =	vmul.f32 $8.000000000e+00, v6;
	v6 =	vld [tilespmem:s1+$0x20];
	[tilespmem:s30+$0x50] =	vst v0  }
0x127: {  	v0 =	vld [tilespmem:s1+$0x60];
	[tilespmem:s30+$0x90] =	vst v3;
	v2 =	vmul.f32 $8.000000000e+00, v2  }
0x128: {  	[tilespmem:s30+$0xFFFFFF10] =	vst v4;
	v3 =	vmul.f32 $8.000000000e+00, v5;
	v4 =	vld [tilespmem:s1+$0xA0]  }
0x129: {  	v5 =	vld [tilespmem:s1+$0xFFFFFF20];
	v7 =	vmul.f32 $8.000000000e+00, v7;
	[tilespmem:s30+$0xE0] =	vst v2  }
0x12a: {  	[tilespmem:s30+$0xFFFFFF60] =	vst v3;
	v1 =	vmul.f32 $8.000000000e+00, v1;
	v3 =	vld [tilespmem:s1+$0xF0]  }
0x12b: {  	[tilespmem:s30+$0xFFFFFFA0] =	vst v7;
	v2 =	vmul.f32 $8.000000000e+00, v6;
	v8 =	vld [tilespmem:s1+$0xFFFFFF70]  }
0x12c: {  	v7 =	vld [tilespmem:s1+$0xFFFFFFB0];
	[tilespmem:s30+$0xFFFFFFE0] =	vst v1;
	v6 =	vmul.f32 $8.000000000e+00, v0  }
0x12d: {  	[tilespmem:s30+$0x20] =	vst v2;
	v0 =	vld [tilespmem:s1+$0xFFFFFFF0];
	v4 =	vmul.f32 $8.000000000e+00, v4  }
0x12e: {  	s28 =	sadd.s32 s28, s7;
	v5 =	vmul.f32 $8.000000000e+00, v5;
	v1 =	vld [tilespmem:s1+$0x30];
	[tilespmem:s30+$0x60] =	vst v6  }
0x12f: {  	s28 =	sshll.u32 s28, $0x3;
	v2 =	vld [tilespmem:s1+$0x70];
	[tilespmem:s30+$0xA0] =	vst v4;
	v9 =	vmul.f32 $8.000000000e+00, v3  }
0x130: {  	s28 =	sand.u32 $0x1FFFFF80, s28;
	[tilespmem:s30+$0xFFFFFF20] =	vst v5;
	v3 =	vld [tilespmem:s1+$0xB0];
	v6 =	vmul.f32 $8.000000000e+00, v8  }
0x131: {  	s28 =	sadd.s32 s2, s28;
	s31 =	simm.s32 $0x0;
	v4 =	vld [tilespmem:s1+$0xFFFFFF30];
	v5 =	vmul.f32 $8.000000000e+00, v7;
	s1 =	simm.s32 $0x6A20;
	[tilespmem:s30+$0xF0] =	vst v9  }
.LBB2_9:
0x132: {  	v7 =	vld [tilespmem:s1+$0xC0];
	s31 =	sadd.s32 $0x8, s31;
	[tilespmem:s30+$0xFFFFFF70] =	vst v6;
	v0 =	vmul.f32 $8.000000000e+00, v0  }
0x133: {  	v6 =	vld [tilespmem:s1+$0xFFFFFF40];
	p0 =	slt.u32 s31, $0x188;
	[tilespmem:s30+$0xFFFFFFB0] =	vst v5;
	v1 =	vmul.f32 $8.000000000e+00, v1  }
0x134: {  	v5 =	vld [tilespmem:s1+$0xFFFFFF80];
	[tilespmem:s30+$0xFFFFFFF0] =	vst v0;
	v0 =	vmul.f32 $8.000000000e+00, v2  }
0x135: {  	v2 =	vld [tilespmem:s1+$0xFFFFFFC0];
	[tilespmem:s30+$0x30] =	vst v1;
	v1 =	vmul.f32 $8.000000000e+00, v3  }
0x136: {  	v3 =	vld [tilespmem:s1+$0x0];
	v4 =	vmul.f32 $8.000000000e+00, v4;
	[tilespmem:s30+$0x70] =	vst v0  }
0x137: {  	v0 =	vld [tilespmem:s1+$0x40];
	v7 =	vmul.f32 $8.000000000e+00, v7;
	[tilespmem:s30+$0xB0] =	vst v1  }
0x138: {  	v1 =	vmul.f32 $8.000000000e+00, v6;
	v6 =	vld [tilespmem:s1+$0x80];
	[tilespmem:s30+$0xFFFFFF30] =	vst v4;
	s30 =	sadd.s32 $0x200, s30  }
0x139: {  	v4 =	vld [tilespmem:s1+$0xFFFFFF00];
	v5 =	vmul.f32 $8.000000000e+00, v5;
	[tilespmem:s30+$0xC0] =	vst v7  }
0x13a: {  	[tilespmem:s30+$0xFFFFFF40] =	vst v1;
	v1 =	vmul.f32 $8.000000000e+00, v2;
	v2 =	vld [tilespmem:s1+$0xD0]  }
0x13b: {  	v7 =	vld [tilespmem:s1+$0xFFFFFF50];
	[tilespmem:s30+$0xFFFFFF80] =	vst v5;
	v3 =	vmul.f32 $8.000000000e+00, v3  }
0x13c: {  	v5 =	vld [tilespmem:s1+$0xFFFFFF90];
	[tilespmem:s30+$0xFFFFFFC0] =	vst v1;
	v0 =	vmul.f32 $8.000000000e+00, v0  }
0x13d: {  	v1 =	vld [tilespmem:s1+$0xFFFFFFD0];
	[tilespmem:s30+$0x0] =	vst v3;
	v3 =	vmul.f32 $8.000000000e+00, v6  }
0x13e: {  	v4 =	vmul.f32 $8.000000000e+00, v4;
	v6 =	vld [tilespmem:s1+$0x10];
	[tilespmem:s30+$0x40] =	vst v0  }
0x13f: {  	v0 =	vld [tilespmem:s1+$0x50];
	[tilespmem:s30+$0x80] =	vst v3;
	v2 =	vmul.f32 $8.000000000e+00, v2  }
0x140: {  	[tilespmem:s30+$0xFFFFFF00] =	vst v4;
	v3 =	vmul.f32 $8.000000000e+00, v7;
	v4 =	vld [tilespmem:s1+$0x90]  }
0x141: {  	v7 =	vld [tilespmem:s1+$0xFFFFFF10];
	v5 =	vmul.f32 $8.000000000e+00, v5;
	[tilespmem:s30+$0xD0] =	vst v2  }
0x142: {  	[tilespmem:s30+$0xFFFFFF50] =	vst v3;
	v1 =	vmul.f32 $8.000000000e+00, v1;
	v2 =	vld [tilespmem:s1+$0xE0]  }
0x143: {  	v3 =	vld [tilespmem:s1+$0xFFFFFF60];
	[tilespmem:s30+$0xFFFFFF90] =	vst v5;
	v5 =	vmul.f32 $8.000000000e+00, v6  }
0x144: {  	v6 =	vld [tilespmem:s1+$0xFFFFFFA0];
	[tilespmem:s30+$0xFFFFFFD0] =	vst v1;
	v0 =	vmul.f32 $8.000000000e+00, v0  }
0x145: {  	v1 =	vld [tilespmem:s1+$0xFFFFFFE0];
	[tilespmem:s30+$0x10] =	vst v5;
	v4 =	vmul.f32 $8.000000000e+00, v4  }
0x146: {  	v5 =	vmul.f32 $8.000000000e+00, v7;
	v7 =	vld [tilespmem:s1+$0x20];
	[tilespmem:s30+$0x50] =	vst v0  }
0x147: {  	v0 =	vld [tilespmem:s1+$0x60];
	[tilespmem:s30+$0x90] =	vst v4;
	v2 =	vmul.f32 $8.000000000e+00, v2  }
0x148: {  	[tilespmem:s30+$0xFFFFFF10] =	vst v5;
	v3 =	vmul.f32 $8.000000000e+00, v3;
	v4 =	vld [tilespmem:s1+$0xA0]  }
0x149: {  	v5 =	vld [tilespmem:s1+$0xFFFFFF20];
	v6 =	vmul.f32 $8.000000000e+00, v6;
	[tilespmem:s30+$0xE0] =	vst v2  }
0x14a: {  	[tilespmem:s30+$0xFFFFFF60] =	vst v3;
	v1 =	vmul.f32 $8.000000000e+00, v1;
	v3 =	vld [tilespmem:s1+$0xF0]  }
0x14b: {  	v8 =	vld [tilespmem:s1+$0xFFFFFF70];
	[tilespmem:s30+$0xFFFFFFA0] =	vst v6;
	v2 =	vmul.f32 $8.000000000e+00, v7  }
0x14c: {  	v7 =	vld [tilespmem:s1+$0xFFFFFFB0];
	[tilespmem:s30+$0xFFFFFFE0] =	vst v1;
	v6 =	vmul.f32 $8.000000000e+00, v0  }
.Ltmp3:
0x14d: {  	v0 =	vld [tilespmem:s1+$0xFFFFFFF0];
	[tilespmem:s30+$0x20] =	vst v2;
	v4 =	vmul.f32 $8.000000000e+00, v4;
	(pc) =	sbr.rel @p0 .LBB2_9-.Ltmp3, $4  }
0x14e: {  	v5 =	vmul.f32 $8.000000000e+00, v5;
	v1 =	vld [tilespmem:s1+$0x30];
	[tilespmem:s30+$0x60] =	vst v6  }
0x14f: {  	v2 =	vld [tilespmem:s1+$0x70];
	[tilespmem:s30+$0xA0] =	vst v4;
	v9 =	vmul.f32 $8.000000000e+00, v3  }
0x150: {  	[tilespmem:s30+$0xFFFFFF20] =	vst v5;
	v6 =	vmul.f32 $8.000000000e+00, v8;
	v3 =	vld [tilespmem:s1+$0xB0]  }
0x151: {  	v4 =	vld [tilespmem:s1+$0xFFFFFF30];
	v5 =	vmul.f32 $8.000000000e+00, v7;
	[tilespmem:s30+$0xF0] =	vst v9;
	s1 =	sadd.s32 $0x200, s1  }
0x152: {  	[tilespmem:s30+$0xFFFFFF70] =	vst v6;
	v0 =	vmul.f32 $8.000000000e+00, v0  }
0x153: {  	[tilespmem:s30+$0xFFFFFFB0] =	vst v5;
	v1 =	vmul.f32 $8.000000000e+00, v1  }
0x154: {  	s1 =	smin.u32 s29, $0x3C;
	[tilespmem:s30+$0xFFFFFFF0] =	vst v0;
	v61 =	vmul.f32 $8.000000000e+00, v2  }
0x155: {  	s26 =	sadd.s32 $0x1, s26;
	s1 =	smul.u32 $0x190, s1;
	[tilespmem:s30+$0x30] =	vst v1;
	v62 =	vmul.f32 $8.000000000e+00, v3  }
0x156: {  	p0 =	sne.s32 s26, $0x20;
	v63 =	vmul.f32 $8.000000000e+00, v4;
	[tilespmem:s30+$0x70] =	vst v61  }
.Ltmp4:
0x157: {  	s1 =	sadd.s32 s1, s11;
	[tilespmem:s30+$0xB0] =	vst v62;
	(pc) =	sbr.rel @p0 .LBB2_6-.Ltmp4, $4  }
0x158: {  	s1 =	sshrl.u32 s1, $0x3;
	[tilespmem:s30+$0xFFFFFF30] =	vst v63  }
0x159: {  	[hbm4b:s28+s3] =	stream.linear.scatter [tilespmem:s23], [sflag:$0x3], $0x6400, $0x38;
	[tilespmem:$0x19320] =	vst v63  }
0x15a: {  	s1 =	sadd.s32 s5, s1  }
0x15b: {  	[tilespmem:s17], [sflag:$0x1] =	stream.linear.gather [hbm4b:s1+s3], $0x190, $0x38;
	[tilespmem:$0x19320] =	vst v63  }
0x15c: {  	_ =	swait.ge [sflag:s18], $0x190  }
0x15d: {  	[sflag:s18] =	ssyncset.done $0x0  }
0x15e: {  	[sflag:s18] =	ssyncadd.s32 $0xFFFFFE70  }
0x15f: {  	_ =	swait.ge [sflag:s18], $0x190  }
0x160: {  	[sflag:s18] =	ssyncset.done $0x0  }
0x161: {  	s25 =	sadd.s32 $0x1, s25;
	[sflag:s18] =	ssyncadd.s32 $0xFFFFFE70  }
0x162: {  	p0 =	sne.s32 s25, s16;
	_ =	swait.ge [sflag:s24], $0x6400  }
.Ltmp5:
0x163: {  	[sflag:s24] =	ssyncset.done $0x0;
	(pc) =	sbr.rel @p0 .LBB2_1-.Ltmp5, $4  }
0x164: {  	[sflag:s24] =	ssyncadd.s32 $0xFFFF9C00  }
0x165: {  	_ =	swait.ge [sflag:s24], $0x6400  }
0x166: {  	[sflag:s24] =	ssyncset.done $0x0  }
0x167: {  	[sflag:s24] =	ssyncadd.s32 $0xFFFF9C00  }
0x168: {  	_ =	sfence.sel $0x180000  }
0x169: {  	[bflag:$0x0] =	sbarrier.arrive $0xFFFF  }
0x16a: {  	_ =	strace $0x90000047  }
0x16b: {  	[bflag:$0x2] =	sbarrier.arrive $0xFFFF  }
0x16c: {  	p0 =	sne.s32 s0, $0x0;
	s0 =	rddreg [dreg:$0x2]  }
0x16d: {  	s0 =	sadd.s32 @!p0 $0x100000, s0  }
0x16e: {  	[sflag:s0] =	ssyncadd.tile.s32 @!p0 $0x1;
	_ =	shalt  }
.Lfunc_end2:
_tile_overlayer_lowered:
.L_overlay_start_2:
0x16f: {  	(tag) =	ssettag $0x2  }
0x170: {  	s0 =	rddreg [dreg:$0x0];
	s2 =	stileid.u32  }
0x171: {  	s1 =	rddreg [dreg:$0x1];
	p0 =	sne.s32 s2, $0x0  }
0x172: {  	s3 =	rddreg [dreg:$0x2];
	[bflag:$0x3] =	sbarrier.arrive $0xFFFF;
	s2 =	simm.s32 @!p0 $0x1C04  }
0x173: {  	[timem:s3], [sflag:s2] =	dma.local @!p0 [hbm:s0], s1  }
0x174: {  	s0 =	simm.s32 @!p0 $0x4  }
0x175: {  	_ =	swait.ge @!p0 [sflag:s0], s1  }
0x176: {  	s1 =	ssub.s32 @!p0 $0x0, s1;
	[sflag:s0] =	ssyncset.done @!p0 $0x0  }
0x177: {  	[sflag:s0] =	ssyncadd.s32 @!p0 s1  }
0x178: {  	[bflag:$0x3] =	sbarrier.arrive $0xFFFF  }
0x179: {  	_ =	shalt  }

// kernel: sparse-core-data-format-call.cloned.1.call-start
scs
called_computation_lowered:
.L_overlay_start_0:
0x0: {  	s2 =	sld [smem:$0x3FD9]  }
0x1: {  	s3 =	sld [smem:$0x3FFE];
	_ =	sdelay $0x1  }
0x2: {  	s1 =	srdreg.scid  }
0x3: {  	s0 =	sand.u32 $0x1, s1  }
0x4: {  	s18 =	sshll.u32 s0, $0xA;
	s2 =	sadd.s32 s3, s2  }
0x5: {  	s2 =	sadd.s32 s2, s18  }
0x6: {  	[smem:$0x3FC6] =	sst s2  }
0x7: {  	_ = 	snop  }
0x8: {  	s2 =	sld [smem:$0x3FD0];
	(tm) =	ssettm $0x1  }
0x9: {  	s19 =	sld [smem:$0x3FFB];
	_ =	sdelay $0x3  }
0xa: {  	_ =	strace s19  }
0xb: {  	s3 =	sld [smem:$0x3FFC];
	_ =	sdelay $0x3  }
0xc: {  	_ =	strace s3  }
0xd: {  	s3 =	sld [smem:$0x3FFD];
	_ =	sdelay $0x3  }
0xe: {  	_ =	strace s3  }
0xf: {  	_ =	strace $0x8FFFFFFF  }
0x10: {  	s20 =	sld [smem:$0x3FDB];
	_ =	sdelay $0x1  }
0x11: {  	s4 =	simm.s32 $_scs_section_size  }
0x12: {  	s5 =	simm.s32 $_size__tile_overlayer_lowered;
	s6 =	simm.s32 $_tile_overlayer_lowered  }
0x13: {  	s23 =	simm.s32 $0x1BFF;
	s22 =	sshll.u32 s6, $0x1;
	s3 =	sadd.s32 s4, s20  }
0x14: {  	s7 =	simm.s32 $0x0;
	s21 =	sshll.u32 s5, $0x1;
	s5 =	sadd.s32 s22, s3  }
0x15: {  	[timem:s7], [sflag:s23] =	dma.local [hbm:s5], s21  }
0x16: {  	_ =	swait.ge [sflag:s23], s21  }
0x17: {  	s4 =	ssub.s32 $0x0, s21;
	[sflag:s23] =	ssyncset.done $0x0  }
0x18: {  	[sflag:s23] =	ssyncadd.s32 s4;
	_ =	sdelay $0x1  }
0x19: {  	s24 =	simm.s32 $0x1B8B  }
0x1a: {  	_ =	swait.ge [sflag:s24], $0x1  }
0x1b: {  	[sflag:s24] =	ssyncset.done $0x0  }
0x1c: {  	s26 =	simm.s32 $0x1B8E;
	s25 =	sld [smem:$0x3FFE];
	[sflag:s24] =	ssyncadd.s32 $0xFFFFFFFF  }
0x1d: {  	s27 =	simm.s32 $execute0_lowered;
	[smem:$0x3FD2] =	sst s26  }
0x1e: {  	s5 =	sshll.u32 s27, $0x1;
	_ =	strace $0x80000049;
	[dreg:$0x1] =	wrdreg $0xFFFFFFFF  }
0x1f: {  	s28 =	simm.s32 $_size_execute0_lowered;
	s3 =	sadd.s32 s3, s5;
	[dreg:$0x0] =	wrdreg $0x0  }
0x20: {  	s5 =	sshll.u32 s28, $0x1;
	[dreg:$0x2] =	wrdreg s3  }
0x21: {  	[dreg:$0x3] =	wrdreg s5  }
0x22: {  	[dreg:$0x4] =	wrdreg $0xC0  }
0x23: {  	_ =	task [dreg:s7], $0x5FFFF  }
0x24: {  	[dreg:$0x1] =	wrdreg $0xFFFFFFFF  }
0x25: {  	[dreg:$0x0] =	wrdreg $0x60  }
0x26: {  	[dreg:$0x2] =	wrdreg s25  }
0x27: {  	[dreg:$0x3] =	wrdreg s2  }
0x28: {  	[dreg:$0x4] =	wrdreg $0x9  }
0x29: {  	_ =	task.clear_ibuf [dreg:s7], $0x5FFFF;
	_ =	strace $0x90000049  }
0x2a: {  	s29 =	simm.s32 $0x9;
	_ =	strace $0x8000004B  }
0x2b: {  	_ =	swait.ge [sflag:s29], $0x1  }
0x2c: {  	[sflag:s29] =	ssyncadd.s32 $0xFFFFFFFF  }
0x2d: {  	_ =	strace $0x9000004B  }
0x2e: {  	_ =	sfence  }
0x2f: {  	s30 =	sld [smem:$0x0];
	_ =	sdelay $0x2  }
0x30: {  	s31 =	sshll.u32 s1, $0xD;
	s1 =	sshrl.u32 s1, $0x2  }
0x31: {  	s3 =	sand.u32 $0x4000, s31;
	s1 =	sadd.s32 s1, s30  }
0x32: {  	s0 =	sor.u32 s3, s0;
	s1 =	sshll.u32 s1, $0x11  }
0x33: {  	s0 =	sor.u32 s1, s0  }
0x34: {  	s0 =	sadd.s32 $0x8F2B, s0  }
0x35: {  	[sflag:s0] =	ssyncadd.remote.s32 $0x1  }
0x36: {  	_ =	sfence.sel $0xFFFF  }
0x37: {  	[dreg:$0x0] =	wrdreg $0xFFFFFFFF;
	(pc) =	sbr.abs _section_cstart, $3  }
0x38: {  	[dreg:$0x1] =	wrdreg $0xFFFFFFFF  }
0x39: {  	_ =	task.clear_ibuf [dreg:s7], $0x2FFFF;
	_ =	strace $0x9FFFFFFF  }
0x3a: {  	(tm) =	ssettm $0x7FFFFFFF  }
0x3b: {  	_ =	shalt  }
tec
execute0_lowered:
.L_overlay_start_1:
0x0: {  	(tag) =	ssettag $0x1  }
0x1: {  	s0 =	srdreg.scid  }
0x2: {  	s1 =	sshll.u32 s0, $0x4  }
0x3: {  	s0 =	stileid.u32;
	s1 =	sand.u32 $0x10, s1  }
0x4: {  	s1 =	sor.u32 s0, s1  }
0x5: {  	s6 =	rddreg [dreg:$0x0];
	s4 =	simm.s32 $0x1;
	s2 =	sshll.u32 s1, $0x7  }
0x6: {  	s7 =	simm.s32 $0x2;
	s12 =	simm.s32 $0x0;
	s1 =	ssub.s32 $0x1000, s2  }
0x7: {  	s8 =	simm.s32 $0x8000;
	s13 =	simm.s32 $0x0;
	s3 =	sand.u32 $0xF80, s1  }
0x8: {  	s9 =	simm.s32 $0x0;
	s5 =	sshrl.u32 s1, $0xC;
	p0 =	sne.s32 s3, $0x0  }
.Ltmp0:
0x9: {  	s1 =	rddreg [dreg:$0x2];
	s4 =	simm.s32 @!p0 $0x0;
	(pc) =	sbr.rel .LBB1_1-.Ltmp0, $4  }
0xa: {  	s11 =	simm.s32 $0x0;
	s3 =	rddreg [dreg:$0x1];
	s5 =	sadd.s32 s4, s5  }
0xb: {  	_ =	strace $0x8000004A;
	s4 =	simm.s32 $0x1;
	s5 =	smul.u32 $0xC8, s5  }
0xc: {  	s6 =	sadd.s32 $0xA00, s6;
	s10 =	smov.u32 s2;
	[sflag:s4] =	ssyncpa.u1 $0x0  }
0xd: {  	p0 =	por $0x0, $0x0;
	[sflag:s7] =	ssyncpa.u1 $0x0;
	s7 =	sor.u32 $0x1, s5  }
.LBB1_4:
0xe: {  	s16 =	sshll.u32 s13, $0x3;
	s17 =	sand.u32 $0x78, s13  }
0xf: {  	s30 =	sand.u32 $0x7E00, s13;
	s12 =	sshll.u32 s12, $0xF;
	s16 =	sand.u32 $0xC00, s16  }
0x10: {  	[tilespmem:s15+$0x810 ss:$0x81] =	vst.msk $0xffff, v2;
	s31 =	sand.u32 $0x7, s13;
	s16 =	sor.u32 s17, s16;
	s17 =	sadd.s32 s3, s30  }
0x11: {  	[tilespmem:s15+$0x1020 ss:$0x81] =	vst.msk $0xffff, v0;
	s13 =	sshll.u32 s31, $0x12;
	s12 =	sadd.s32 s12, s17;
	s16 =	sshrl.u32 s16, $0x3  }
0x12: {  	[tilespmem:s15+$0x0 ss:$0x81] =	vst.msk $0xffff, v1;
	s13 =	sor.u32 $0x400, s13;
	s12 =	sadd.s32 s16, s12  }
0x13: {  	[hbm4b:s12+s13] =	stream.strided.scatter [tilespmem:s14], [sflag:$0x2], $0x2000, s8, s13, $0x20;
	[tilespmem:$0x8080] =	vst v63  }
.LBB1_5:
0x14: {  	s14 =	sadd.s32 $0x1, s9  }
0x15: {  	s12 =	sadd.s32 $0x1000, s10;
	s16 =	smov.u32 s10;
	p2 =	sgt.s32 s14, $0xC7  }
0x16: {  	s16 =	smov.u32 @p2 s12  }
0x17: {  	s14 =	simm.s32 @p2 $0x0;
	p2 =	sgt.s32 s16, $0xFFF  }
0x18: {  	s16 =	smov.u32 @p2 s2;
	p2 =	sne.s32 s11, s7  }
.Ltmp1:
0x19: {  	p1 =	slt.u32 s11, $0x2;
	(pc) =	sbr.rel @!p2 .LBB1_6-.Ltmp1, $4  }
0x1a: {  	s15 =	simm.s32 @!p1 $0x2  }
0x1b: {  	s13 =	smov.u32 s10;
	p0 =	por !p0, !p0;
	_ =	swait.ge @!p1 [sflag:s15], $0x2000  }
0x1c: {  	s12 =	smov.u32 s9;
	[sflag:s15] =	ssyncset.done @!p1 $0x0;
	s9 =	smov.u32 s14  }
0x1d: {  	s11 =	sadd.s32 $0x1, s11;
	[sflag:s15] =	ssyncadd.s32 @!p1 $0xFFFFE000;
	s10 =	smov.u32 s16  }
.LBB1_1:
0x1e: {  	p1 =	sge.u32 s11, s5  }
0x1f: {  	s14 =	sand.u32 @!p1 $0x1FFFFFF, s9  }
0x20: {  	s15 =	smulhi.u32 @!p1 $0x147AE15, s14;
	_ =	sdelay $0x1  }
0x21: {  	s15 =	smul.u32 @!p1 $0xC8, s15  }
0x22: {  	s16 =	sxor.u32 @!p1 $0xFFFFFFFF, s11;
	s17 =	smul.u32 @!p1 $0xC80, s10  }
0x23: {  	s31 =	sadd.s32 $0xFFFFFFFF, s11;
	s16 =	sshll.u32 @!p1 s16, $0xD;
	s14 =	ssub.s32 @!p1 s14, s15  }
0x24: {  	s15 =	sand.u32 @!p1 $0x2000, s16;
	s16 =	sadd.s32 @!p1 s6, s17;
	s14 =	sshll.u32 @!p1 s14, $0x4  }
0x25: {  	s17 =	simm.s32 @!p1 $0x6400;
	s14 =	sadd.s32 @!p1 s14, s16;
	s16 =	simm.s32 @!p1 $0x40  }
0x26: {  	[tilespmem:s15], [sflag:$0x1] =	stream.strided.gather @!p1 [hbm4b:s14+s16], $0x2000, s17, s16, $0x38;
	[tilespmem:$0x8080] =	vst v63  }
0x27: {  	p1 =	sge.u32 s31, s5  }
.Ltmp2:
0x28: {  	_ = 	snop;
	(pc) =	sbr.rel @p1 .LBB1_5-.Ltmp2, $1  }
0x29: {  	_ =	sdelay $0x3  }
0x2a: {  	s14 =	simm.s32 $0x1  }
0x2b: {  	_ =	swait.ge [sflag:s4], $0x2000;
	s14 =	simm.s32 @!p0 $0x0  }
0x2c: {  	[sflag:s4] =	ssyncset.done $0x0;
	s15 =	sshll.u32 s14, $0xD  }
0x2d: {  	[sflag:s4] =	ssyncadd.s32 $0xFFFFE000;
	s18 =	sor.u32 $0x20, s15  }
0x2e: {  	s14 =	smul.u32 $0x8100, s14;
	v3 =	vld [tilespmem:s18+$0x10]  }
0x2f: {  	s30 =	sand.u32 $0x1, s11;
	v2 =	vld [tilespmem:s18+$0xFFFFFFF0]  }
0x30: {  	s15 =	smul.u32 $0x8100, s30;
	s14 =	sshrl.u32 s14, $0x2;
	v0 =	vld [tilespmem:s18+$0x0]  }
0x31: {  	v1 =	vld [tilespmem:s18+$0xFFFFFFE0];
	s16 =	sor.u32 $0x4000, s14  }
0x32: {  	s31 =	sshrl.u32 s15, $0x2;
	s15 =	sadd.s32 $0x0, s16  }
0x33: {  	s17 =	simm.s32 $0x4;
	s18 =	sadd.s32 $0x40, s18;
	s14 =	sor.u32 $0x4000, s31;
	[tilespmem:s15+$0x1830 ss:$0x81] =	vst.msk $0xffff, v3  }
.LBB1_3:
0x34: {  	v3 =	vld [tilespmem:s18+$0x10];
	p1 =	sne.s32 s17, $0x1FC;
	[tilespmem:s15+$0x810 ss:$0x81] =	vst.msk $0xffff, v2;
	s19 =	smov.u32 s17;
	s17 =	sadd.s32 $0x4, s17  }
.Ltmp3:
0x35: {  	v2 =	vld [tilespmem:s18+$0xFFFFFFF0];
	[tilespmem:s15+$0x1020 ss:$0x81] =	vst.msk $0xffff, v0;
	(pc) =	sbr.rel @p1 .LBB1_3-.Ltmp3, $4  }
0x36: {  	v0 =	vld [tilespmem:s18+$0x0];
	[tilespmem:s15+$0x0 ss:$0x81] =	vst.msk $0xffff, v1  }
0x37: {  	s15 =	sshra.s32 s19, $0x2;
	v1 =	vld [tilespmem:s18+$0xFFFFFFE0]  }
0x38: {  	s15 =	sadd.s32 s15, s16  }
0x39: {  	s18 =	sadd.s32 $0x40, s18;
	[tilespmem:s15+$0x1830 ss:$0x81] =	vst.msk $0xffff, v3  }
.Ltmp4:
0x3a: {  	_ = 	snop;
	(pc) =	sbr.rel .LBB1_4-.Ltmp4, $1  }
0x3b: {  	_ =	sdelay $0x3  }
.LBB1_6:
0x3c: {  	_ =	sfence.sel $0x180000  }
0x3d: {  	s2 =	simm.s32 $0x1;
	[bflag:$0x0] =	sbarrier.arrive $0xFFFF  }
0x3e: {  	s31 =	simm.s32 $0x2;
	[sflag:s2] =	ssyncpa.u1 $0x1  }
0x3f: {  	[sflag:s31] =	ssyncpa.u1 $0x1  }
0x40: {  	p0 =	sne.s32 s0, $0x0;
	_ =	strace $0x9000004A  }
0x41: {  	s0 =	sadd.s32 @!p0 $0x100000, s1;
	[bflag:$0x2] =	sbarrier.arrive $0xFFFF  }
0x42: {  	[sflag:s0] =	ssyncadd.tile.s32 @!p0 $0x1;
	_ =	shalt  }
.Lfunc_end1:
_tile_overlayer_lowered:
.L_overlay_start_2:
0x43: {  	(tag) =	ssettag $0x2  }
0x44: {  	s0 =	rddreg [dreg:$0x0];
	s2 =	stileid.u32  }
0x45: {  	s1 =	rddreg [dreg:$0x1];
	p0 =	sne.s32 s2, $0x0  }
0x46: {  	s3 =	rddreg [dreg:$0x2];
	[bflag:$0x3] =	sbarrier.arrive $0xFFFF;
	s2 =	simm.s32 @!p0 $0x1C01  }
0x47: {  	[timem:s3], [sflag:s2] =	dma.local @!p0 [hbm:s0], s1  }
0x48: {  	s0 =	simm.s32 @!p0 $0x1  }
0x49: {  	_ =	swait.ge @!p0 [sflag:s0], s1  }
0x4a: {  	s1 =	ssub.s32 @!p0 $0x0, s1;
	[sflag:s0] =	ssyncset.done @!p0 $0x0  }
0x4b: {  	[sflag:s0] =	ssyncadd.s32 @!p0 s1  }
0x4c: {  	[bflag:$0x3] =	sbarrier.arrive $0xFFFF  }
0x4d: {  	_ =	shalt  }

</sc_bundles>
